<compile_context>
chip_gen: v7x
topology: tpu7x:2x2x1
jax: 0.10.2.dev20260603
libtpu: 0.0.44.dev20260713+nightly
codegen_flags: <defaults>
</compile_context>

<pallas_src>
import functools

import jax
import jax.numpy as jnp
from jax import lax
from jax.experimental import pallas as pl
from jax.experimental.pallas import tpu as pltpu
from jax.experimental.pallas import tpu_sc as plsc

T_NEW = 8192
T_OLD = 32768
V = 10000
K = 5

NW = 32
LANES = 16
W_OLD = T_OLD // NW
W_NEW = T_NEW // NW

Q_TILE = 256
N_QT = T_NEW // Q_TILE
KCH = 8192
N_KCH = T_OLD // KCH

_PAIRS = ((0, 1), (0, 2), (0, 3), (1, 2), (1, 3), (2, 3))


def _prep_body(hoi0, hoi1, hoi2, hoi3, hoc0, hoc1, hoc2,
               hni0, hni1, hni2, hni3, hnc0, hnc1, hnc2, vp,
               kx, ky, kz, ksq, omel2, qx, qy, qz, qsq, nmel2,
               vp_v,
               oi0, oi1, oi2, oi3, oc0, oc1, oc2,
               ni0, ni1, ni2, ni3, nc0, nc1, nc2,
               ko0, ko1, ko2, ksq_v, om_v,
               qo0, qo1, qo2, qsq_v, nm_v):
    wid = lax.axis_index("s") * 2 + lax.axis_index("c")
    oi_v = [oi0, oi1, oi2, oi3]
    ni_v = [ni0, ni1, ni2, ni3]
    occ_v = [oc0, oc1, oc2]
    ncc_v = [nc0, nc1, nc2]
    ko_v = [ko0, ko1, ko2]
    qo_v = [qo0, qo1, qo2]

    hoi = [hoi0, hoi1, hoi2, hoi3]
    hni = [hni0, hni1, hni2, hni3]
    hoc = [hoc0, hoc1, hoc2]
    hnc = [hnc0, hnc1, hnc2]

    pltpu.sync_copy(vp, vp_v)
    for r in range(4):
        pltpu.sync_copy(hoi[r].at[pl.ds(wid * W_OLD, W_OLD)], oi_v[r])
        pltpu.sync_copy(hni[r].at[pl.ds(wid * W_NEW, W_NEW)], ni_v[r])
    for c in range(3):
        pltpu.sync_copy(hoc[c].at[pl.ds(wid * W_OLD, W_OLD)], occ_v[c])
        pltpu.sync_copy(hnc[c].at[pl.ds(wid * W_NEW, W_NEW)], ncc_v[c])

    def make_loop(idx_v, cc_v, out_v, sq_v, mel_v, width):
        def body(j, _):
            s = pl.ds(j * LANES, LANES)
            addrs = [idx_v[r][s] * 3 for r in range(4)]
            coords = [[plsc.load_gather(vp_v, [a + c]) for a in addrs]
                      for c in range(3)]
            pts = []
            for c in range(3):
                x0, x1, x2, x3 = coords[c]
                cent = ((x0 + x2) + (x1 + x3)) * 0.25
                pts.append(0.5 * (cent + cc_v[c][s]))
            px, py, pz = pts
            sq_v[s] = (px * px + pz * pz) + py * py
            mel = None
            for (a, b) in _PAIRS:
                dx = coords[0][a] - coords[0][b]
                dy = coords[1][a] - coords[1][b]
                dz = coords[2][a] - coords[2][b]
                e2 = (dx * dx + dy * dy) + dz * dz
                mel = e2 if mel is None else jnp.minimum(mel, e2)
            mel_v[s] = mel
            for c in range(3):
                out_v[c][s] = pts[c]
            return 0

        lax.fori_loop(0, width // LANES, body, 0)

    make_loop(oi_v, occ_v, ko_v, ksq_v, om_v, W_OLD)
    make_loop(ni_v, ncc_v, qo_v, qsq_v, nm_v, W_NEW)

    hko = [kx, ky, kz]
    hqo = [qx, qy, qz]
    for c in range(3):
        pltpu.sync_copy(ko_v[c], hko[c].at[pl.ds(wid * W_OLD, W_OLD)])
        pltpu.sync_copy(qo_v[c], hqo[c].at[pl.ds(wid * W_NEW, W_NEW)])
    pltpu.sync_copy(ksq_v, ksq.at[pl.ds(wid * W_OLD, W_OLD)])
    pltpu.sync_copy(om_v, omel2.at[pl.ds(wid * W_OLD, W_OLD)])
    pltpu.sync_copy(qsq_v, qsq.at[pl.ds(wid * W_NEW, W_NEW)])
    pltpu.sync_copy(nm_v, nmel2.at[pl.ds(wid * W_NEW, W_NEW)])


def _run_prep(oi_rows, oc_rows, ni_rows, nc_rows, vp):
    f = pl.kernel(
        _prep_body,
        out_type=(
            [jax.ShapeDtypeStruct((T_OLD,), jnp.float32)] * 5
            + [jax.ShapeDtypeStruct((T_NEW,), jnp.float32)] * 5
        ),
        mesh=plsc.VectorSubcoreMesh(core_axis_name="c", subcore_axis_name="s"),
        compiler_params=pltpu.CompilerParams(needs_layout_passes=False),
        scratch_types=(
            [pltpu.VMEM((V * 3,), jnp.float32)]
            + [pltpu.VMEM((W_OLD,), jnp.int32)] * 4
            + [pltpu.VMEM((W_OLD,), jnp.float32)] * 3
            + [pltpu.VMEM((W_NEW,), jnp.int32)] * 4
            + [pltpu.VMEM((W_NEW,), jnp.float32)] * 3
            + [pltpu.VMEM((W_OLD,), jnp.float32)] * 5
            + [pltpu.VMEM((W_NEW,), jnp.float32)] * 5
        ),
    )
    return f(*oi_rows, *oc_rows, *ni_rows, *nc_rows, vp.reshape(V * 3))


_BIG_I = 2 ** 30


def _knn_body(q8, k8, ksq, qsqb, od2, nd2,
              cands_o, wts_o, omel_o, nmel_o):
    qb = q8[...].astype(jnp.bfloat16)
    qsq = qsqb[...][:, 0:1]

    def extract5_chunk(d2, iot, ibase):
        vs, is_ = [], []
        for t in range(K):
            m = jnp.min(d2, axis=1, keepdims=True)
            mi = jnp.min(jnp.where(d2 == m, iot, _BIG_I),
                         axis=1, keepdims=True)
            if t < K - 1:
                d2 = jnp.where(iot == mi, jnp.inf, d2)
            vs.append(m)
            is_.append(mi + ibase)
        return jnp.concatenate(vs, axis=1), jnp.concatenate(is_, axis=1)

    def extract5_merge(av, ai):
        vs, is_ = [], []
        for t in range(K):
            m = jnp.min(av, axis=1, keepdims=True)
            mi = jnp.min(jnp.where(av == m, ai, _BIG_I),
                         axis=1, keepdims=True)
            if t < K - 1:
                av = jnp.where((av == m) & (ai == mi), jnp.inf, av)
            vs.append(m)
            is_.append(mi)
        return jnp.concatenate(vs, axis=1), jnp.concatenate(is_, axis=1)

    def chunk(c, carry):
        bv, bi = carry
        kblk = k8[:, pl.ds(c * KCH, KCH)].astype(jnp.bfloat16)
        qk = jnp.dot(qb, kblk, preferred_element_type=jnp.float32)
        a = qsq + ksq[:, pl.ds(c * KCH, KCH)]
        d2 = a - qk * 2.0
        iot = lax.broadcasted_iota(jnp.int32, (Q_TILE, KCH), 1)
        cv, ci = extract5_chunk(d2, iot, c * KCH)
        av = jnp.concatenate([bv, cv], axis=1)
        ai = jnp.concatenate([bi, ci], axis=1)
        return extract5_merge(av, ai)

    bv0 = jnp.full((Q_TILE, K), jnp.inf, jnp.float32)
    bi0 = jnp.full((Q_TILE, K), _BIG_I, jnp.int32)
    bv, bi = lax.fori_loop(0, N_KCH, chunk, (bv0, bi0))

    cands_o[...] = bi
    dist = jnp.sqrt(jnp.maximum(bv, 1e-12))
    z = -dist
    zm = jnp.max(z, axis=1, keepdims=True)
    e = jnp.exp(z - zm)
    wts_o[...] = e / jnp.sum(e, axis=1, keepdims=True)
    omel_o[...] = jnp.sqrt(od2[...] + 1e-12)
    nmel_o[...] = jnp.sqrt(nd2[...] + 1e-12)


def _run_knn(q8, k8, ksq2, qsqb, od2, nd2):
    return pl.pallas_call(
        _knn_body,
        grid=(N_QT,),
        in_specs=[
            pl.BlockSpec((Q_TILE, 8), lambda i: (i, 0)),
            pl.BlockSpec((8, T_OLD), lambda i: (0, 0)),
            pl.BlockSpec((1, T_OLD), lambda i: (0, 0)),
            pl.BlockSpec((Q_TILE, 128), lambda i: (i, 0)),
            pl.BlockSpec((1, W_OLD), lambda i: (0, i)),
            pl.BlockSpec((1, W_NEW), lambda i: (0, i)),
        ],
        out_specs=[
            pl.BlockSpec((Q_TILE, K), lambda i: (i, 0)),
            pl.BlockSpec((Q_TILE, K), lambda i: (i, 0)),
            pl.BlockSpec((1, W_OLD), lambda i: (0, i)),
            pl.BlockSpec((1, W_NEW), lambda i: (0, i)),
        ],
        out_shape=[
            jax.ShapeDtypeStruct((T_NEW, K), jnp.int32),
            jax.ShapeDtypeStruct((T_NEW, K), jnp.float32),
            jax.ShapeDtypeStruct((1, T_OLD), jnp.float32),
            jax.ShapeDtypeStruct((1, T_NEW), jnp.float32),
        ],
    )(q8, k8, ksq2, qsqb, od2, nd2)


W_D = T_NEW * K // NW


def _dens_body(omel, cands, nmexp, dens, mel_v, idx_v, nm_v, out_v):
    wid = lax.axis_index("s") * 2 + lax.axis_index("c")
    base = wid * W_D
    pltpu.sync_copy(omel, mel_v)
    pltpu.sync_copy(cands.at[pl.ds(base, W_D)], idx_v)
    pltpu.sync_copy(nmexp.at[pl.ds(base, W_D)], nm_v)

    def body(j, _):
        s = pl.ds(j * LANES, LANES)
        g = plsc.load_gather(mel_v, [idx_v[s]])
        out_v[s] = nm_v[s] / (g + 1e-8)
        return 0

    lax.fori_loop(0, W_D // LANES, body, 0)
    pltpu.sync_copy(out_v, dens.at[pl.ds(base, W_D)])


def _run_dens(omel, cands_flat, nmexp_flat):
    f = pl.kernel(
        _dens_body,
        out_type=[jax.ShapeDtypeStruct((T_NEW * K,), jnp.float32)],
        mesh=plsc.VectorSubcoreMesh(core_axis_name="c", subcore_axis_name="s"),
        compiler_params=pltpu.CompilerParams(needs_layout_passes=False),
        scratch_types=[
            pltpu.VMEM((T_OLD,), jnp.float32),
            pltpu.VMEM((W_D,), jnp.int32),
            pltpu.VMEM((W_D,), jnp.float32),
            pltpu.VMEM((W_D,), jnp.float32),
        ],
    )
    return f(omel, cands_flat, nmexp_flat)


def kernel(new_indices, old_indices, old_cc, new_cc, vertex_positions):
    oi_rows = [old_indices[:, r] for r in range(4)]
    ni_rows = [new_indices[:, r] for r in range(4)]
    oc_rows = [old_cc[:, c] for c in range(3)]
    nc_rows = [new_cc[:, c] for c in range(3)]

    kx, ky, kz, ksq, omel2, qx, qy, qz, qsq, nmel2 = _run_prep(
        oi_rows, oc_rows, ni_rows, nc_rows, vertex_positions)

    k8 = (jnp.zeros((8, T_OLD), jnp.float32)
          .at[0].set(kx).at[1].set(ky).at[2].set(kz))
    q8 = (jnp.zeros((T_NEW, 8), jnp.float32)
          .at[:, 0].set(qx).at[:, 1].set(qy).at[:, 2].set(qz))
    ksq2 = ksq.reshape(1, T_OLD)
    qsqb = jnp.broadcast_to(qsq[:, None], (T_NEW, 128))
    od2 = omel2.reshape(1, T_OLD)
    nd2 = nmel2.reshape(1, T_NEW)

    cands, weights, omel, nmel = _run_knn(q8, k8, ksq2, qsqb, od2, nd2)

    nmexp = jnp.broadcast_to(nmel.reshape(T_NEW, 1), (T_NEW, K))
    dens, = _run_dens(omel.reshape(T_OLD),
                      cands.reshape(T_NEW * K),
                      nmexp.reshape(T_NEW * K))
    return cands, weights, dens.reshape(T_NEW, K)

# --- scband reference (transcript-rebuilt; emitter-appended) ---
"""Pipeline reference for scband-simple-model-31705448579733 (READ-ONLY COPY).

The authoritative reference and input builder live on the scoring server;
editing this copy changes nothing except your own understanding.
"""

import jax, jax.numpy as jnp
import numpy as np

T_NEW = 8192
T_OLD = 32768
V = 10000
K = 5
CHUNK = 1024


def _min_edge_length(vertices, indices):
    p = vertices[indices]  # (T, 4, 3)
    pairs = [(0, 1), (0, 2), (0, 3), (1, 2), (1, 3), (2, 3)]
    el = jnp.stack([jnp.sqrt(((p[:, a] - p[:, b]) ** 2).sum(-1) + 1e-12) for a, b in pairs])
    return el.min(axis=0)


def setup_inputs(seed: int = 0):
    key = jax.random.key(seed)
    k1, k2, k3, k4, k5 = jax.random.split(key, 5)
    new_indices = jax.random.randint(k1, (T_NEW, 4), 0, V, dtype=jnp.int32)
    old_indices = jax.random.randint(k2, (T_OLD, 4), 0, V, dtype=jnp.int32)
    old_cc = jax.random.normal(k3, (T_OLD, 3), dtype=jnp.float32)
    new_cc = jax.random.normal(k4, (T_NEW, 3), dtype=jnp.float32)
    vertex_positions = jax.random.normal(k5, (V, 3), dtype=jnp.float32)
    return {"new_indices": new_indices, "old_indices": old_indices, "old_cc": old_cc, "new_cc": new_cc, "vertex_positions": vertex_positions}


def reference(new_indices, old_indices, old_cc, new_cc, vertex_positions):
    # Centroids of old/new tets (gather + mean), as in the torch walk/fallback path.
    old_cent = vertex_positions[old_indices].mean(axis=1)
    new_cent = vertex_positions[new_indices].mean(axis=1)
    # Blend centroid with provided cell centers (old_cc/new_cc) as the retrieval points.
    q = 0.5 * (new_cent + new_cc)
    kpts = 0.5 * (old_cent + old_cc)
    # Chunked brute-force nearest-neighbor search (fallback_remap path, generalized to top-K=5 candidates).
    k_sq = (kpts ** 2).sum(-1)
    def knn_chunk(qc):
        d2 = (qc ** 2).sum(-1, keepdims=True) + k_sq[None, :] - 2.0 * (qc @ kpts.T)
        neg_vals, idx = jax.lax.top_k(-d2, K)
        return -neg_vals, idx
    d2c, idxc = jax.lax.map(knn_chunk, q.reshape(T_NEW // CHUNK, CHUNK, 3))
    d2_top = d2c.reshape(T_NEW, K)
    cands = idxc.reshape(T_NEW, K)
    # Distance-based blending weights across the 5 candidate old tets.
    dist = jnp.sqrt(jnp.maximum(d2_top, 1e-12))
    weights = jax.nn.softmax(-dist, axis=1)
    # Per-candidate edge-length ratio (density scale), via _min_edge_length.
    new_mel = _min_edge_length(vertex_positions, new_indices)
    old_mel = _min_edge_length(vertex_positions, old_indices)
    density_scale = new_mel[:, None] / (old_mel[cands] + 1e-8)
    return cands, weights, density_scale

if __name__ == "__main__":
    import jax
    _d = setup_inputs()
    print(jax.jit(kernel)(*tuple(_d.values())))

</pallas_src>

<mosaic_0001>
#map = affine_map<(d0, d1) -> (0)>
module attributes {stable_mosaic.version = 14 : i64} {
  func.func @_dens_body(%arg0: i32, %arg1: i32, %arg2: memref<32768xf32, #tpu.memory_space<hbm>>, %arg3: memref<40960xi32, #tpu.memory_space<hbm>>, %arg4: memref<40960xf32, #tpu.memory_space<hbm>>, %arg5: memref<40960xf32, #tpu.memory_space<hbm>>, %arg6: memref<32768xf32, #tpu.memory_space<vmem>>, %arg7: memref<1280xi32, #tpu.memory_space<vmem>>, %arg8: memref<1280xf32, #tpu.memory_space<vmem>>, %arg9: memref<1280xf32, #tpu.memory_space<vmem>>) attributes {dimension_semantics = [#tpu.dimension_semantics<core_parallel>, #tpu.dimension_semantics<subcore_parallel>], iteration_bounds = array<i64: 2, 16>, scalar_prefetch = 0 : i64, scratch_operands = 4 : i64, tpu.core_type = #tpu.core_type<sc_vector_subcore>, window_params = [{transform_indices = #map}, {transform_indices = #map}, {transform_indices = #map}, {transform_indices = #map}]} {
    %mul3A = arith.constant 2 : i32
    %mul3A_0 = arith.muli %arg1, %mul3A : i32
    %add3A = arith.addi %mul3A_0, %arg0 : i32
    %mul3A_1 = arith.constant 1280 : i32
    %mul3A_2 = arith.muli %add3A, %mul3A_1 : i32
    "tpu.region"() ({
      %run_scoped3A = tpu.sem_alloc : memref<!tpu.dma_semaphore, #tpu.memory_space<semaphore_mem>>
      tpu.enqueue_dma source(%arg2 : memref<32768xf32, #tpu.memory_space<hbm>>) target(%arg6 : memref<32768xf32, #tpu.memory_space<vmem>>) target_semaphore(%run_scoped3A : memref<!tpu.dma_semaphore, #tpu.memory_space<semaphore_mem>>)
      tpu.wait_dma2 semaphore(%run_scoped3A : memref<!tpu.dma_semaphore, #tpu.memory_space<semaphore_mem>>) src(%arg2 : memref<32768xf32, #tpu.memory_space<hbm>>) dst(%arg6 : memref<32768xf32, #tpu.memory_space<vmem>>)
      tpu.yield
    }) : () -> ()
    "tpu.region"() ({
      %run_scoped3A = tpu.sem_alloc : memref<!tpu.dma_semaphore, #tpu.memory_space<semaphore_mem>>
      %dma_start3A = tpu.memref_slice %arg3[%mul3A_2] : memref<40960xi32, #tpu.memory_space<hbm>> -> memref<1280xi32, #tpu.memory_space<hbm>>
      %dma_start3A_9 = tpu.memref_slice %arg3[%mul3A_2] : memref<40960xi32, #tpu.memory_space<hbm>> -> memref<1280xi32, #tpu.memory_space<hbm>>
      tpu.enqueue_dma source(%dma_start3A_9 : memref<1280xi32, #tpu.memory_space<hbm>>) target(%arg7 : memref<1280xi32, #tpu.memory_space<vmem>>) target_semaphore(%run_scoped3A : memref<!tpu.dma_semaphore, #tpu.memory_space<semaphore_mem>>)
      %dma_wait3A = tpu.memref_slice %arg3[%mul3A_2] : memref<40960xi32, #tpu.memory_space<hbm>> -> memref<1280xi32, #tpu.memory_space<hbm>>
      %dma_wait3A_10 = tpu.memref_slice %arg3[%mul3A_2] : memref<40960xi32, #tpu.memory_space<hbm>> -> memref<1280xi32, #tpu.memory_space<hbm>>
      tpu.wait_dma2 semaphore(%run_scoped3A : memref<!tpu.dma_semaphore, #tpu.memory_space<semaphore_mem>>) src(%dma_wait3A_10 : memref<1280xi32, #tpu.memory_space<hbm>>) dst(%arg7 : memref<1280xi32, #tpu.memory_space<vmem>>)
      tpu.yield
    }) : () -> ()
    "tpu.region"() ({
      %run_scoped3A = tpu.sem_alloc : memref<!tpu.dma_semaphore, #tpu.memory_space<semaphore_mem>>
      %dma_start3A = tpu.memref_slice %arg4[%mul3A_2] : memref<40960xf32, #tpu.memory_space<hbm>> -> memref<1280xf32, #tpu.memory_space<hbm>>
      %dma_start3A_9 = tpu.memref_slice %arg4[%mul3A_2] : memref<40960xf32, #tpu.memory_space<hbm>> -> memref<1280xf32, #tpu.memory_space<hbm>>
      tpu.enqueue_dma source(%dma_start3A_9 : memref<1280xf32, #tpu.memory_space<hbm>>) target(%arg8 : memref<1280xf32, #tpu.memory_space<vmem>>) target_semaphore(%run_scoped3A : memref<!tpu.dma_semaphore, #tpu.memory_space<semaphore_mem>>)
      %dma_wait3A = tpu.memref_slice %arg4[%mul3A_2] : memref<40960xf32, #tpu.memory_space<hbm>> -> memref<1280xf32, #tpu.memory_space<hbm>>
      %dma_wait3A_10 = tpu.memref_slice %arg4[%mul3A_2] : memref<40960xf32, #tpu.memory_space<hbm>> -> memref<1280xf32, #tpu.memory_space<hbm>>
      tpu.wait_dma2 semaphore(%run_scoped3A : memref<!tpu.dma_semaphore, #tpu.memory_space<semaphore_mem>>) src(%dma_wait3A_10 : memref<1280xf32, #tpu.memory_space<hbm>>) dst(%arg8 : memref<1280xf32, #tpu.memory_space<vmem>>)
      tpu.yield
    }) : () -> ()
    %scan3A = arith.constant 0 : i32
    %scan3A_3 = arith.constant 0 : i32
    %scan3A_4 = arith.constant 80 : i32
    %scan3A_5 = arith.addi %scan3A_3, %scan3A_4 : i32
    %scan3A_6 = arith.constant 1 : i32
    %scan3A_7 = scf.for %scan3A_9 = %scan3A_3 to %scan3A_5 step %scan3A_6 iter_args(%scan3A_10 = %scan3A) -> (i32)  : i32 {
      %mul3A_11 = arith.constant 16 : i32
      %mul3A_12 = arith.muli %scan3A_9, %mul3A_11 : i32
      %get3A = arith.index_cast %mul3A_12 : i32 to index
      %get3A_13 = tpu.vector_load %arg7[%get3A] {strides = array<i32>} : memref<1280xi32, #tpu.memory_space<vmem>>, vector<16xi32>,
      %gather3A = tpu.vector_load_idx %arg6[%get3A_13] : memref<32768xf32, #tpu.memory_space<vmem>>[vector<16xi32>], vector<16xf32>,
      %get3A_14 = arith.index_cast %mul3A_12 : i32 to index
      %get3A_15 = tpu.vector_load %arg8[%get3A_14] {strides = array<i32>} : memref<1280xf32, #tpu.memory_space<vmem>>, vector<16xf32>,
      %add3A_16 = arith.constant 9.99999993E-9 : f32
      %add3A_17 = vector.broadcast %add3A_16 : f32 to vector<16xf32>
      %add3A_18 = arith.addf %gather3A, %add3A_17 : vector<16xf32>
      %div3A = arith.divf %get3A_15, %add3A_18 : vector<16xf32>
      %swap3A = arith.index_cast %mul3A_12 : i32 to index
      %swap3A_19 = tpu.vector_load %arg9[%swap3A] {strides = array<i32>} : memref<1280xf32, #tpu.memory_space<vmem>>, vector<16xf32>,
      tpu.vector_store %arg9[%swap3A], %div3A {strides = array<i32>} : memref<1280xf32, #tpu.memory_space<vmem>>, vector<16xf32>,
      %scan3A_20 = arith.constant 0 : i32
      scf.yield %scan3A_20 : i32
    }
    %scan3A_8 = arith.constant 80 : i32
    "tpu.region"() ({
      %run_scoped3A = tpu.sem_alloc : memref<!tpu.dma_semaphore, #tpu.memory_space<semaphore_mem>>
      %dma_start3A = tpu.memref_slice %arg5[%mul3A_2] : memref<40960xf32, #tpu.memory_space<hbm>> -> memref<1280xf32, #tpu.memory_space<hbm>>
      %dma_start3A_9 = tpu.memref_slice %arg5[%mul3A_2] : memref<40960xf32, #tpu.memory_space<hbm>> -> memref<1280xf32, #tpu.memory_space<hbm>>
      tpu.enqueue_dma source(%arg9 : memref<1280xf32, #tpu.memory_space<vmem>>) target(%dma_start3A_9 : memref<1280xf32, #tpu.memory_space<hbm>>) target_semaphore(%run_scoped3A : memref<!tpu.dma_semaphore, #tpu.memory_space<semaphore_mem>>)
      %dma_wait3A = tpu.memref_slice %arg5[%mul3A_2] : memref<40960xf32, #tpu.memory_space<hbm>> -> memref<1280xf32, #tpu.memory_space<hbm>>
      %dma_wait3A_10 = tpu.memref_slice %arg5[%mul3A_2] : memref<40960xf32, #tpu.memory_space<hbm>> -> memref<1280xf32, #tpu.memory_space<hbm>>
      tpu.wait_dma2 semaphore(%run_scoped3A : memref<!tpu.dma_semaphore, #tpu.memory_space<semaphore_mem>>) src(%arg9 : memref<1280xf32, #tpu.memory_space<vmem>>) dst(%dma_wait3A_10 : memref<1280xf32, #tpu.memory_space<hbm>>)
      tpu.yield
    }) : () -> ()
    return
  }
}

#map = affine_map<(d0, d1) -> (0)>
module attributes {stable_mosaic.version = 14 : i64} {
  func.func @_prep_body(%arg0: i32, %arg1: i32, %arg2: memref<32768xi32, #tpu.memory_space<hbm>>, %arg3: memref<32768xi32, #tpu.memory_space<hbm>>, %arg4: memref<32768xi32, #tpu.memory_space<hbm>>, %arg5: memref<32768xi32, #tpu.memory_space<hbm>>, %arg6: memref<32768xf32, #tpu.memory_space<hbm>>, %arg7: memref<32768xf32, #tpu.memory_space<hbm>>, %arg8: memref<32768xf32, #tpu.memory_space<hbm>>, %arg9: memref<8192xi32, #tpu.memory_space<hbm>>, %arg10: memref<8192xi32, #tpu.memory_space<hbm>>, %arg11: memref<8192xi32, #tpu.memory_space<hbm>>, %arg12: memref<8192xi32, #tpu.memory_space<hbm>>, %arg13: memref<8192xf32, #tpu.memory_space<hbm>>, %arg14: memref<8192xf32, #tpu.memory_space<hbm>>, %arg15: memref<8192xf32, #tpu.memory_space<hbm>>, %arg16: memref<30000xf32, #tpu.memory_space<hbm>>, %arg17: memref<32768xf32, #tpu.memory_space<hbm>>, %arg18: memref<32768xf32, #tpu.memory_space<hbm>>, %arg19: memref<32768xf32, #tpu.memory_space<hbm>>, %arg20: memref<32768xf32, #tpu.memory_space<hbm>>, %arg21: memref<32768xf32, #tpu.memory_space<hbm>>, %arg22: memref<8192xf32, #tpu.memory_space<hbm>>, %arg23: memref<8192xf32, #tpu.memory_space<hbm>>, %arg24: memref<8192xf32, #tpu.memory_space<hbm>>, %arg25: memref<8192xf32, #tpu.memory_space<hbm>>, %arg26: memref<8192xf32, #tpu.memory_space<hbm>>, %arg27: memref<30000xf32, #tpu.memory_space<vmem>>, %arg28: memref<1024xi32, #tpu.memory_space<vmem>>, %arg29: memref<1024xi32, #tpu.memory_space<vmem>>, %arg30: memref<1024xi32, #tpu.memory_space<vmem>>, %arg31: memref<1024xi32, #tpu.memory_space<vmem>>, %arg32: memref<1024xf32, #tpu.memory_space<vmem>>, %arg33: memref<1024xf32, #tpu.memory_space<vmem>>, %arg34: memref<1024xf32, #tpu.memory_space<vmem>>, %arg35: memref<256xi32, #tpu.memory_space<vmem>>, %arg36: memref<256xi32, #tpu.memory_space<vmem>>, %arg37: memref<256xi32, #tpu.memory_space<vmem>>, %arg38: memref<256xi32, #tpu.memory_space<vmem>>, %arg39: memref<256xf32, #tpu.memory_space<vmem>>, %arg40: memref<256xf32, #tpu.memory_space<vmem>>, %arg41: memref<256xf32, #tpu.memory_space<vmem>>, %arg42: memref<1024xf32, #tpu.memory_space<vmem>>, %arg43: memref<1024xf32, #tpu.memory_space<vmem>>, %arg44: memref<1024xf32, #tpu.memory_space<vmem>>, %arg45: memref<1024xf32, #tpu.memory_space<vmem>>, %arg46: memref<1024xf32, #tpu.memory_space<vmem>>, %arg47: memref<256xf32, #tpu.memory_space<vmem>>, %arg48: memref<256xf32, #tpu.memory_space<vmem>>, %arg49: memref<256xf32, #tpu.memory_space<vmem>>, %arg50: memref<256xf32, #tpu.memory_space<vmem>>, %arg51: memref<256xf32, #tpu.memory_space<vmem>>) attributes {dimension_semantics = [#tpu.dimension_semantics<core_parallel>, #tpu.dimension_semantics<subcore_parallel>], iteration_bounds = array<i64: 2, 16>, scalar_prefetch = 0 : i64, scratch_operands = 25 : i64, tpu.core_type = #tpu.core_type<sc_vector_subcore>, window_params = [{transform_indices = #map}, {transform_indices = #map}, {transform_indices = #map}, {transform_indices = #map}, {transform_indices = #map}, {transform_indices = #map}, {transform_indices = #map}, {transform_indices = #map}, {transform_indices = #map}, {transform_indices = #map}, {transform_indices = #map}, {transform_indices = #map}, {transform_indices = #map}, {transform_indices = #map}, {transform_indices = #map}, {transform_indices = #map}, {transform_indices = #map}, {transform_indices = #map}, {transform_indices = #map}, {transform_indices = #map}, {transform_indices = #map}, {transform_indices = #map}, {transform_indices = #map}, {transform_indices = #map}, {transform_indices = #map}]} {
    %mul3A = arith.constant 2 : i32
    %mul3A_0 = arith.muli %arg1, %mul3A : i32
    %add3A = arith.addi %mul3A_0, %arg0 : i32
    "tpu.region"() ({
      %run_scoped3A = tpu.sem_alloc : memref<!tpu.dma_semaphore, #tpu.memory_space<semaphore_mem>>
      tpu.enqueue_dma source(%arg16 : memref<30000xf32, #tpu.memory_space<hbm>>) target(%arg27 : memref<30000xf32, #tpu.memory_space<vmem>>) target_semaphore(%run_scoped3A : memref<!tpu.dma_semaphore, #tpu.memory_space<semaphore_mem>>)
      tpu.wait_dma2 semaphore(%run_scoped3A : memref<!tpu.dma_semaphore, #tpu.memory_space<semaphore_mem>>) src(%arg16 : memref<30000xf32, #tpu.memory_space<hbm>>) dst(%arg27 : memref<30000xf32, #tpu.memory_space<vmem>>)
      tpu.yield
    }) : () -> ()
    %mul3A_1 = arith.constant 1024 : i32
    %mul3A_2 = arith.muli %add3A, %mul3A_1 : i32
    "tpu.region"() ({
      %run_scoped3A = tpu.sem_alloc : memref<!tpu.dma_semaphore, #tpu.memory_space<semaphore_mem>>
      %dma_start3A = tpu.memref_slice %arg2[%mul3A_2] : memref<32768xi32, #tpu.memory_space<hbm>> -> memref<1024xi32, #tpu.memory_space<hbm>>
      %dma_start3A_62 = tpu.memref_slice %arg2[%mul3A_2] : memref<32768xi32, #tpu.memory_space<hbm>> -> memref<1024xi32, #tpu.memory_space<hbm>>
      tpu.enqueue_dma source(%dma_start3A_62 : memref<1024xi32, #tpu.memory_space<hbm>>) target(%arg28 : memref<1024xi32, #tpu.memory_space<vmem>>) target_semaphore(%run_scoped3A : memref<!tpu.dma_semaphore, #tpu.memory_space<semaphore_mem>>)
      %dma_wait3A = tpu.memref_slice %arg2[%mul3A_2] : memref<32768xi32, #tpu.memory_space<hbm>> -> memref<1024xi32, #tpu.memory_space<hbm>>
      %dma_wait3A_63 = tpu.memref_slice %arg2[%mul3A_2] : memref<32768xi32, #tpu.memory_space<hbm>> -> memref<1024xi32, #tpu.memory_space<hbm>>
      tpu.wait_dma2 semaphore(%run_scoped3A : memref<!tpu.dma_semaphore, #tpu.memory_space<semaphore_mem>>) src(%dma_wait3A_63 : memref<1024xi32, #tpu.memory_space<hbm>>) dst(%arg28 : memref<1024xi32, #tpu.memory_space<vmem>>)
      tpu.yield
    }) : () -> ()
    %mul3A_3 = arith.constant 256 : i32
    %mul3A_4 = arith.muli %add3A, %mul3A_3 : i32
    "tpu.region"() ({
      %run_scoped3A = tpu.sem_alloc : memref<!tpu.dma_semaphore, #tpu.memory_space<semaphore_mem>>
      %dma_start3A = tpu.memref_slice %arg9[%mul3A_4] : memref<8192xi32, #tpu.memory_space<hbm>> -> memref<256xi32, #tpu.memory_space<hbm>>
      %dma_start3A_62 = tpu.memref_slice %arg9[%mul3A_4] : memref<8192xi32, #tpu.memory_space<hbm>> -> memref<256xi32, #tpu.memory_space<hbm>>
      tpu.enqueue_dma source(%dma_start3A_62 : memref<256xi32, #tpu.memory_space<hbm>>) target(%arg35 : memref<256xi32, #tpu.memory_space<vmem>>) target_semaphore(%run_scoped3A : memref<!tpu.dma_semaphore, #tpu.memory_space<semaphore_mem>>)
      %dma_wait3A = tpu.memref_slice %arg9[%mul3A_4] : memref<8192xi32, #tpu.memory_space<hbm>> -> memref<256xi32, #tpu.memory_space<hbm>>
      %dma_wait3A_63 = tpu.memref_slice %arg9[%mul3A_4] : memref<8192xi32, #tpu.memory_space<hbm>> -> memref<256xi32, #tpu.memory_space<hbm>>
      tpu.wait_dma2 semaphore(%run_scoped3A : memref<!tpu.dma_semaphore, #tpu.memory_space<semaphore_mem>>) src(%dma_wait3A_63 : memref<256xi32, #tpu.memory_space<hbm>>) dst(%arg35 : memref<256xi32, #tpu.memory_space<vmem>>)
      tpu.yield
    }) : () -> ()
    %mul3A_5 = arith.constant 1024 : i32
    %mul3A_6 = arith.muli %add3A, %mul3A_5 : i32
    "tpu.region"() ({
      %run_scoped3A = tpu.sem_alloc : memref<!tpu.dma_semaphore, #tpu.memory_space<semaphore_mem>>
      %dma_start3A = tpu.memref_slice %arg3[%mul3A_6] : memref<32768xi32, #tpu.memory_space<hbm>> -> memref<1024xi32, #tpu.memory_space<hbm>>
      %dma_start3A_62 = tpu.memref_slice %arg3[%mul3A_6] : memref<32768xi32, #tpu.memory_space<hbm>> -> memref<1024xi32, #tpu.memory_space<hbm>>
      tpu.enqueue_dma source(%dma_start3A_62 : memref<1024xi32, #tpu.memory_space<hbm>>) target(%arg29 : memref<1024xi32, #tpu.memory_space<vmem>>) target_semaphore(%run_scoped3A : memref<!tpu.dma_semaphore, #tpu.memory_space<semaphore_mem>>)
      %dma_wait3A = tpu.memref_slice %arg3[%mul3A_6] : memref<32768xi32, #tpu.memory_space<hbm>> -> memref<1024xi32, #tpu.memory_space<hbm>>
      %dma_wait3A_63 = tpu.memref_slice %arg3[%mul3A_6] : memref<32768xi32, #tpu.memory_space<hbm>> -> memref<1024xi32, #tpu.memory_space<hbm>>
      tpu.wait_dma2 semaphore(%run_scoped3A : memref<!tpu.dma_semaphore, #tpu.memory_space<semaphore_mem>>) src(%dma_wait3A_63 : memref<1024xi32, #tpu.memory_space<hbm>>) dst(%arg29 : memref<1024xi32, #tpu.memory_space<vmem>>)
      tpu.yield
    }) : () -> ()
    %mul3A_7 = arith.constant 256 : i32
    %mul3A_8 = arith.muli %add3A, %mul3A_7 : i32
    "tpu.region"() ({
      %run_scoped3A = tpu.sem_alloc : memref<!tpu.dma_semaphore, #tpu.memory_space<semaphore_mem>>
      %dma_start3A = tpu.memref_slice %arg10[%mul3A_8] : memref<8192xi32, #tpu.memory_space<hbm>> -> memref<256xi32, #tpu.memory_space<hbm>>
      %dma_start3A_62 = tpu.memref_slice %arg10[%mul3A_8] : memref<8192xi32, #tpu.memory_space<hbm>> -> memref<256xi32, #tpu.memory_space<hbm>>
      tpu.enqueue_dma source(%dma_start3A_62 : memref<256xi32, #tpu.memory_space<hbm>>) target(%arg36 : memref<256xi32, #tpu.memory_space<vmem>>) target_semaphore(%run_scoped3A : memref<!tpu.dma_semaphore, #tpu.memory_space<semaphore_mem>>)
      %dma_wait3A = tpu.memref_slice %arg10[%mul3A_8] : memref<8192xi32, #tpu.memory_space<hbm>> -> memref<256xi32, #tpu.memory_space<hbm>>
      %dma_wait3A_63 = tpu.memref_slice %arg10[%mul3A_8] : memref<8192xi32, #tpu.memory_space<hbm>> -> memref<256xi32, #tpu.memory_space<hbm>>
      tpu.wait_dma2 semaphore(%run_scoped3A : memref<!tpu.dma_semaphore, #tpu.memory_space<semaphore_mem>>) src(%dma_wait3A_63 : memref<256xi32, #tpu.memory_space<hbm>>) dst(%arg36 : memref<256xi32, #tpu.memory_space<vmem>>)
      tpu.yield
    }) : () -> ()
    %mul3A_9 = arith.constant 1024 : i32
    %mul3A_10 = arith.muli %add3A, %mul3A_9 : i32
    "tpu.region"() ({
      %run_scoped3A = tpu.sem_alloc : memref<!tpu.dma_semaphore, #tpu.memory_space<semaphore_mem>>
      %dma_start3A = tpu.memref_slice %arg4[%mul3A_10] : memref<32768xi32, #tpu.memory_space<hbm>> -> memref<1024xi32, #tpu.memory_space<hbm>>
      %dma_start3A_62 = tpu.memref_slice %arg4[%mul3A_10] : memref<32768xi32, #tpu.memory_space<hbm>> -> memref<1024xi32, #tpu.memory_space<hbm>>
      tpu.enqueue_dma source(%dma_start3A_62 : memref<1024xi32, #tpu.memory_space<hbm>>) target(%arg30 : memref<1024xi32, #tpu.memory_space<vmem>>) target_semaphore(%run_scoped3A : memref<!tpu.dma_semaphore, #tpu.memory_space<semaphore_mem>>)
      %dma_wait3A = tpu.memref_slice %arg4[%mul3A_10] : memref<32768xi32, #tpu.memory_space<hbm>> -> memref<1024xi32, #tpu.memory_space<hbm>>
      %dma_wait3A_63 = tpu.memref_slice %arg4[%mul3A_10] : memref<32768xi32, #tpu.memory_space<hbm>> -> memref<1024xi32, #tpu.memory_space<hbm>>
      tpu.wait_dma2 semaphore(%run_scoped3A : memref<!tpu.dma_semaphore, #tpu.memory_space<semaphore_mem>>) src(%dma_wait3A_63 : memref<1024xi32, #tpu.memory_space<hbm>>) dst(%arg30 : memref<1024xi32, #tpu.memory_space<vmem>>)
      tpu.yield
    }) : () -> ()
    %mul3A_11 = arith.constant 256 : i32
    %mul3A_12 = arith.muli %add3A, %mul3A_11 : i32
    "tpu.region"() ({
      %run_scoped3A = tpu.sem_alloc : memref<!tpu.dma_semaphore, #tpu.memory_space<semaphore_mem>>
      %dma_start3A = tpu.memref_slice %arg11[%mul3A_12] : memref<8192xi32, #tpu.memory_space<hbm>> -> memref<256xi32, #tpu.memory_space<hbm>>
      %dma_start3A_62 = tpu.memref_slice %arg11[%mul3A_12] : memref<8192xi32, #tpu.memory_space<hbm>> -> memref<256xi32, #tpu.memory_space<hbm>>
      tpu.enqueue_dma source(%dma_start3A_62 : memref<256xi32, #tpu.memory_space<hbm>>) target(%arg37 : memref<256xi32, #tpu.memory_space<vmem>>) target_semaphore(%run_scoped3A : memref<!tpu.dma_semaphore, #tpu.memory_space<semaphore_mem>>)
      %dma_wait3A = tpu.memref_slice %arg11[%mul3A_12] : memref<8192xi32, #tpu.memory_space<hbm>> -> memref<256xi32, #tpu.memory_space<hbm>>
      %dma_wait3A_63 = tpu.memref_slice %arg11[%mul3A_12] : memref<8192xi32, #tpu.memory_space<hbm>> -> memref<256xi32, #tpu.memory_space<hbm>>
      tpu.wait_dma2 semaphore(%run_scoped3A : memref<!tpu.dma_semaphore, #tpu.memory_space<semaphore_mem>>) src(%dma_wait3A_63 : memref<256xi32, #tpu.memory_space<hbm>>) dst(%arg37 : memref<256xi32, #tpu.memory_space<vmem>>)
      tpu.yield
    }) : () -> ()
    %mul3A_13 = arith.constant 1024 : i32
    %mul3A_14 = arith.muli %add3A, %mul3A_13 : i32
    "tpu.region"() ({
      %run_scoped3A = tpu.sem_alloc : memref<!tpu.dma_semaphore, #tpu.memory_space<semaphore_mem>>
      %dma_start3A = tpu.memref_slice %arg5[%mul3A_14] : memref<32768xi32, #tpu.memory_space<hbm>> -> memref<1024xi32, #tpu.memory_space<hbm>>
      %dma_start3A_62 = tpu.memref_slice %arg5[%mul3A_14] : memref<32768xi32, #tpu.memory_space<hbm>> -> memref<1024xi32, #tpu.memory_space<hbm>>
      tpu.enqueue_dma source(%dma_start3A_62 : memref<1024xi32, #tpu.memory_space<hbm>>) target(%arg31 : memref<1024xi32, #tpu.memory_space<vmem>>) target_semaphore(%run_scoped3A : memref<!tpu.dma_semaphore, #tpu.memory_space<semaphore_mem>>)
      %dma_wait3A = tpu.memref_slice %arg5[%mul3A_14] : memref<32768xi32, #tpu.memory_space<hbm>> -> memref<1024xi32, #tpu.memory_space<hbm>>
      %dma_wait3A_63 = tpu.memref_slice %arg5[%mul3A_14] : memref<32768xi32, #tpu.memory_space<hbm>> -> memref<1024xi32, #tpu.memory_space<hbm>>
      tpu.wait_dma2 semaphore(%run_scoped3A : memref<!tpu.dma_semaphore, #tpu.memory_space<semaphore_mem>>) src(%dma_wait3A_63 : memref<1024xi32, #tpu.memory_space<hbm>>) dst(%arg31 : memref<1024xi32, #tpu.memory_space<vmem>>)
      tpu.yield
    }) : () -> ()
    %mul3A_15 = arith.constant 256 : i32
    %mul3A_16 = arith.muli %add3A, %mul3A_15 : i32
    "tpu.region"() ({
      %run_scoped3A = tpu.sem_alloc : memref<!tpu.dma_semaphore, #tpu.memory_space<semaphore_mem>>
      %dma_start3A = tpu.memref_slice %arg12[%mul3A_16] : memref<8192xi32, #tpu.memory_space<hbm>> -> memref<256xi32, #tpu.memory_space<hbm>>
      %dma_start3A_62 = tpu.memref_slice %arg12[%mul3A_16] : memref<8192xi32, #tpu.memory_space<hbm>> -> memref<256xi32, #tpu.memory_space<hbm>>
      tpu.enqueue_dma source(%dma_start3A_62 : memref<256xi32, #tpu.memory_space<hbm>>) target(%arg38 : memref<256xi32, #tpu.memory_space<vmem>>) target_semaphore(%run_scoped3A : memref<!tpu.dma_semaphore, #tpu.memory_space<semaphore_mem>>)
      %dma_wait3A = tpu.memref_slice %arg12[%mul3A_16] : memref<8192xi32, #tpu.memory_space<hbm>> -> memref<256xi32, #tpu.memory_space<hbm>>
      %dma_wait3A_63 = tpu.memref_slice %arg12[%mul3A_16] : memref<8192xi32, #tpu.memory_space<hbm>> -> memref<256xi32, #tpu.memory_space<hbm>>
      tpu.wait_dma2 semaphore(%run_scoped3A : memref<!tpu.dma_semaphore, #tpu.memory_space<semaphore_mem>>) src(%dma_wait3A_63 : memref<256xi32, #tpu.memory_space<hbm>>) dst(%arg38 : memref<256xi32, #tpu.memory_space<vmem>>)
      tpu.yield
    }) : () -> ()
    %mul3A_17 = arith.constant 1024 : i32
    %mul3A_18 = arith.muli %add3A, %mul3A_17 : i32
    "tpu.region"() ({
      %run_scoped3A = tpu.sem_alloc : memref<!tpu.dma_semaphore, #tpu.memory_space<semaphore_mem>>
      %dma_start3A = tpu.memref_slice %arg6[%mul3A_18] : memref<32768xf32, #tpu.memory_space<hbm>> -> memref<1024xf32, #tpu.memory_space<hbm>>
      %dma_start3A_62 = tpu.memref_slice %arg6[%mul3A_18] : memref<32768xf32, #tpu.memory_space<hbm>> -> memref<1024xf32, #tpu.memory_space<hbm>>
      tpu.enqueue_dma source(%dma_start3A_62 : memref<1024xf32, #tpu.memory_space<hbm>>) target(%arg32 : memref<1024xf32, #tpu.memory_space<vmem>>) target_semaphore(%run_scoped3A : memref<!tpu.dma_semaphore, #tpu.memory_space<semaphore_mem>>)
      %dma_wait3A = tpu.memref_slice %arg6[%mul3A_18] : memref<32768xf32, #tpu.memory_space<hbm>> -> memref<1024xf32, #tpu.memory_space<hbm>>
      %dma_wait3A_63 = tpu.memref_slice %arg6[%mul3A_18] : memref<32768xf32, #tpu.memory_space<hbm>> -> memref<1024xf32, #tpu.memory_space<hbm>>
      tpu.wait_dma2 semaphore(%run_scoped3A : memref<!tpu.dma_semaphore, #tpu.memory_space<semaphore_mem>>) src(%dma_wait3A_63 : memref<1024xf32, #tpu.memory_space<hbm>>) dst(%arg32 : memref<1024xf32, #tpu.memory_space<vmem>>)
      tpu.yield
    }) : () -> ()
    %mul3A_19 = arith.constant 256 : i32
    %mul3A_20 = arith.muli %add3A, %mul3A_19 : i32
    "tpu.region"() ({
      %run_scoped3A = tpu.sem_alloc : memref<!tpu.dma_semaphore, #tpu.memory_space<semaphore_mem>>
      %dma_start3A = tpu.memref_slice %arg13[%mul3A_20] : memref<8192xf32, #tpu.memory_space<hbm>> -> memref<256xf32, #tpu.memory_space<hbm>>
      %dma_start3A_62 = tpu.memref_slice %arg13[%mul3A_20] : memref<8192xf32, #tpu.memory_space<hbm>> -> memref<256xf32, #tpu.memory_space<hbm>>
      tpu.enqueue_dma source(%dma_start3A_62 : memref<256xf32, #tpu.memory_space<hbm>>) target(%arg39 : memref<256xf32, #tpu.memory_space<vmem>>) target_semaphore(%run_scoped3A : memref<!tpu.dma_semaphore, #tpu.memory_space<semaphore_mem>>)
      %dma_wait3A = tpu.memref_slice %arg13[%mul3A_20] : memref<8192xf32, #tpu.memory_space<hbm>> -> memref<256xf32, #tpu.memory_space<hbm>>
      %dma_wait3A_63 = tpu.memref_slice %arg13[%mul3A_20] : memref<8192xf32, #tpu.memory_space<hbm>> -> memref<256xf32, #tpu.memory_space<hbm>>
      tpu.wait_dma2 semaphore(%run_scoped3A : memref<!tpu.dma_semaphore, #tpu.memory_space<semaphore_mem>>) src(%dma_wait3A_63 : memref<256xf32, #tpu.memory_space<hbm>>) dst(%arg39 : memref<256xf32, #tpu.memory_space<vmem>>)
      tpu.yield
    }) : () -> ()
    %mul3A_21 = arith.constant 1024 : i32
    %mul3A_22 = arith.muli %add3A, %mul3A_21 : i32
    "tpu.region"() ({
      %run_scoped3A = tpu.sem_alloc : memref<!tpu.dma_semaphore, #tpu.memory_space<semaphore_mem>>
      %dma_start3A = tpu.memref_slice %arg7[%mul3A_22] : memref<32768xf32, #tpu.memory_space<hbm>> -> memref<1024xf32, #tpu.memory_space<hbm>>
      %dma_start3A_62 = tpu.memref_slice %arg7[%mul3A_22] : memref<32768xf32, #tpu.memory_space<hbm>> -> memref<1024xf32, #tpu.memory_space<hbm>>
      tpu.enqueue_dma source(%dma_start3A_62 : memref<1024xf32, #tpu.memory_space<hbm>>) target(%arg33 : memref<1024xf32, #tpu.memory_space<vmem>>) target_semaphore(%run_scoped3A : memref<!tpu.dma_semaphore, #tpu.memory_space<semaphore_mem>>)
      %dma_wait3A = tpu.memref_slice %arg7[%mul3A_22] : memref<32768xf32, #tpu.memory_space<hbm>> -> memref<1024xf32, #tpu.memory_space<hbm>>
      %dma_wait3A_63 = tpu.memref_slice %arg7[%mul3A_22] : memref<32768xf32, #tpu.memory_space<hbm>> -> memref<1024xf32, #tpu.memory_space<hbm>>
      tpu.wait_dma2 semaphore(%run_scoped3A : memref<!tpu.dma_semaphore, #tpu.memory_space<semaphore_mem>>) src(%dma_wait3A_63 : memref<1024xf32, #tpu.memory_space<hbm>>) dst(%arg33 : memref<1024xf32, #tpu.memory_space<vmem>>)
      tpu.yield
    }) : () -> ()
    %mul3A_23 = arith.constant 256 : i32
    %mul3A_24 = arith.muli %add3A, %mul3A_23 : i32
    "tpu.region"() ({
      %run_scoped3A = tpu.sem_alloc : memref<!tpu.dma_semaphore, #tpu.memory_space<semaphore_mem>>
      %dma_start3A = tpu.memref_slice %arg14[%mul3A_24] : memref<8192xf32, #tpu.memory_space<hbm>> -> memref<256xf32, #tpu.memory_space<hbm>>
      %dma_start3A_62 = tpu.memref_slice %arg14[%mul3A_24] : memref<8192xf32, #tpu.memory_space<hbm>> -> memref<256xf32, #tpu.memory_space<hbm>>
      tpu.enqueue_dma source(%dma_start3A_62 : memref<256xf32, #tpu.memory_space<hbm>>) target(%arg40 : memref<256xf32, #tpu.memory_space<vmem>>) target_semaphore(%run_scoped3A : memref<!tpu.dma_semaphore, #tpu.memory_space<semaphore_mem>>)
      %dma_wait3A = tpu.memref_slice %arg14[%mul3A_24] : memref<8192xf32, #tpu.memory_space<hbm>> -> memref<256xf32, #tpu.memory_space<hbm>>
      %dma_wait3A_63 = tpu.memref_slice %arg14[%mul3A_24] : memref<8192xf32, #tpu.memory_space<hbm>> -> memref<256xf32, #tpu.memory_space<hbm>>
      tpu.wait_dma2 semaphore(%run_scoped3A : memref<!tpu.dma_semaphore, #tpu.memory_space<semaphore_mem>>) src(%dma_wait3A_63 : memref<256xf32, #tpu.memory_space<hbm>>) dst(%arg40 : memref<256xf32, #tpu.memory_space<vmem>>)
      tpu.yield
    }) : () -> ()
    %mul3A_25 = arith.constant 1024 : i32
    %mul3A_26 = arith.muli %add3A, %mul3A_25 : i32
    "tpu.region"() ({
      %run_scoped3A = tpu.sem_alloc : memref<!tpu.dma_semaphore, #tpu.memory_space<semaphore_mem>>
      %dma_start3A = tpu.memref_slice %arg8[%mul3A_26] : memref<32768xf32, #tpu.memory_space<hbm>> -> memref<1024xf32, #tpu.memory_space<hbm>>
      %dma_start3A_62 = tpu.memref_slice %arg8[%mul3A_26] : memref<32768xf32, #tpu.memory_space<hbm>> -> memref<1024xf32, #tpu.memory_space<hbm>>
      tpu.enqueue_dma source(%dma_start3A_62 : memref<1024xf32, #tpu.memory_space<hbm>>) target(%arg34 : memref<1024xf32, #tpu.memory_space<vmem>>) target_semaphore(%run_scoped3A : memref<!tpu.dma_semaphore, #tpu.memory_space<semaphore_mem>>)
      %dma_wait3A = tpu.memref_slice %arg8[%mul3A_26] : memref<32768xf32, #tpu.memory_space<hbm>> -> memref<1024xf32, #tpu.memory_space<hbm>>
      %dma_wait3A_63 = tpu.memref_slice %arg8[%mul3A_26] : memref<32768xf32, #tpu.memory_space<hbm>> -> memref<1024xf32, #tpu.memory_space<hbm>>
      tpu.wait_dma2 semaphore(%run_scoped3A : memref<!tpu.dma_semaphore, #tpu.memory_space<semaphore_mem>>) src(%dma_wait3A_63 : memref<1024xf32, #tpu.memory_space<hbm>>) dst(%arg34 : memref<1024xf32, #tpu.memory_space<vmem>>)
      tpu.yield
    }) : () -> ()
    %mul3A_27 = arith.constant 256 : i32
    %mul3A_28 = arith.muli %add3A, %mul3A_27 : i32
    "tpu.region"() ({
      %run_scoped3A = tpu.sem_alloc : memref<!tpu.dma_semaphore, #tpu.memory_space<semaphore_mem>>
      %dma_start3A = tpu.memref_slice %arg15[%mul3A_28] : memref<8192xf32, #tpu.memory_space<hbm>> -> memref<256xf32, #tpu.memory_space<hbm>>
      %dma_start3A_62 = tpu.memref_slice %arg15[%mul3A_28] : memref<8192xf32, #tpu.memory_space<hbm>> -> memref<256xf32, #tpu.memory_space<hbm>>
      tpu.enqueue_dma source(%dma_start3A_62 : memref<256xf32, #tpu.memory_space<hbm>>) target(%arg41 : memref<256xf32, #tpu.memory_space<vmem>>) target_semaphore(%run_scoped3A : memref<!tpu.dma_semaphore, #tpu.memory_space<semaphore_mem>>)
      %dma_wait3A = tpu.memref_slice %arg15[%mul3A_28] : memref<8192xf32, #tpu.memory_space<hbm>> -> memref<256xf32, #tpu.memory_space<hbm>>
      %dma_wait3A_63 = tpu.memref_slice %arg15[%mul3A_28] : memref<8192xf32, #tpu.memory_space<hbm>> -> memref<256xf32, #tpu.memory_space<hbm>>
      tpu.wait_dma2 semaphore(%run_scoped3A : memref<!tpu.dma_semaphore, #tpu.memory_space<semaphore_mem>>) src(%dma_wait3A_63 : memref<256xf32, #tpu.memory_space<hbm>>) dst(%arg41 : memref<256xf32, #tpu.memory_space<vmem>>)
      tpu.yield
    }) : () -> ()
    %scan3A = arith.constant 0 : i32
    %scan3A_29 = arith.constant 0 : i32
    %scan3A_30 = arith.constant 64 : i32
    %scan3A_31 = arith.addi %scan3A_29, %scan3A_30 : i32
    %scan3A_32 = arith.constant 1 : i32
    %scan3A_33 = scf.for %scan3A_62 = %scan3A_29 to %scan3A_31 step %scan3A_32 iter_args(%scan3A_63 = %scan3A) -> (i32)  : i32 {
      %mul3A_64 = arith.constant 16 : i32
      %mul3A_65 = arith.muli %scan3A_62, %mul3A_64 : i32
      %get3A = arith.index_cast %mul3A_65 : i32 to index
      %get3A_66 = tpu.vector_load %arg28[%get3A] {strides = array<i32>} : memref<1024xi32, #tpu.memory_space<vmem>>, vector<16xi32>,
      %mul3A_67 = arith.constant 3 : i32
      %mul3A_68 = vector.broadcast %mul3A_67 : i32 to vector<16xi32>
      %mul3A_69 = arith.muli %get3A_66, %mul3A_68 : vector<16xi32>
      %get3A_70 = arith.index_cast %mul3A_65 : i32 to index
      %get3A_71 = tpu.vector_load %arg29[%get3A_70] {strides = array<i32>} : memref<1024xi32, #tpu.memory_space<vmem>>, vector<16xi32>,
      %mul3A_72 = arith.constant 3 : i32
      %mul3A_73 = vector.broadcast %mul3A_72 : i32 to vector<16xi32>
      %mul3A_74 = arith.muli %get3A_71, %mul3A_73 : vector<16xi32>
      %get3A_75 = arith.index_cast %mul3A_65 : i32 to index
      %get3A_76 = tpu.vector_load %arg30[%get3A_75] {strides = array<i32>} : memref<1024xi32, #tpu.memory_space<vmem>>, vector<16xi32>,
      %mul3A_77 = arith.constant 3 : i32
      %mul3A_78 = vector.broadcast %mul3A_77 : i32 to vector<16xi32>
      %mul3A_79 = arith.muli %get3A_76, %mul3A_78 : vector<16xi32>
      %get3A_80 = arith.index_cast %mul3A_65 : i32 to index
      %get3A_81 = tpu.vector_load %arg31[%get3A_80] {strides = array<i32>} : memref<1024xi32, #tpu.memory_space<vmem>>, vector<16xi32>,
      %mul3A_82 = arith.constant 3 : i32
      %mul3A_83 = vector.broadcast %mul3A_82 : i32 to vector<16xi32>
      %mul3A_84 = arith.muli %get3A_81, %mul3A_83 : vector<16xi32>
      %add3A_85 = arith.constant 0 : i32
      %add3A_86 = vector.broadcast %add3A_85 : i32 to vector<16xi32>
      %add3A_87 = arith.addi %mul3A_69, %add3A_86 : vector<16xi32>
      %gather3A = tpu.vector_load_idx %arg27[%add3A_87] : memref<30000xf32, #tpu.memory_space<vmem>>[vector<16xi32>], vector<16xf32>,
      %add3A_88 = arith.constant 0 : i32
      %add3A_89 = vector.broadcast %add3A_88 : i32 to vector<16xi32>
      %add3A_90 = arith.addi %mul3A_74, %add3A_89 : vector<16xi32>
      %gather3A_91 = tpu.vector_load_idx %arg27[%add3A_90] : memref<30000xf32, #tpu.memory_space<vmem>>[vector<16xi32>], vector<16xf32>,
      %add3A_92 = arith.constant 0 : i32
      %add3A_93 = vector.broadcast %add3A_92 : i32 to vector<16xi32>
      %add3A_94 = arith.addi %mul3A_79, %add3A_93 : vector<16xi32>
      %gather3A_95 = tpu.vector_load_idx %arg27[%add3A_94] : memref<30000xf32, #tpu.memory_space<vmem>>[vector<16xi32>], vector<16xf32>,
      %add3A_96 = arith.constant 0 : i32
      %add3A_97 = vector.broadcast %add3A_96 : i32 to vector<16xi32>
      %add3A_98 = arith.addi %mul3A_84, %add3A_97 : vector<16xi32>
      %gather3A_99 = tpu.vector_load_idx %arg27[%add3A_98] : memref<30000xf32, #tpu.memory_space<vmem>>[vector<16xi32>], vector<16xf32>,
      %add3A_100 = arith.constant 1 : i32
      %add3A_101 = vector.broadcast %add3A_100 : i32 to vector<16xi32>
      %add3A_102 = arith.addi %mul3A_69, %add3A_101 : vector<16xi32>
      %gather3A_103 = tpu.vector_load_idx %arg27[%add3A_102] : memref<30000xf32, #tpu.memory_space<vmem>>[vector<16xi32>], vector<16xf32>,
      %add3A_104 = arith.constant 1 : i32
      %add3A_105 = vector.broadcast %add3A_104 : i32 to vector<16xi32>
      %add3A_106 = arith.addi %mul3A_74, %add3A_105 : vector<16xi32>
      %gather3A_107 = tpu.vector_load_idx %arg27[%add3A_106] : memref<30000xf32, #tpu.memory_space<vmem>>[vector<16xi32>], vector<16xf32>,
      %add3A_108 = arith.constant 1 : i32
      %add3A_109 = vector.broadcast %add3A_108 : i32 to vector<16xi32>
      %add3A_110 = arith.addi %mul3A_79, %add3A_109 : vector<16xi32>
      %gather3A_111 = tpu.vector_load_idx %arg27[%add3A_110] : memref<30000xf32, #tpu.memory_space<vmem>>[vector<16xi32>], vector<16xf32>,
      %add3A_112 = arith.constant 1 : i32
      %add3A_113 = vector.broadcast %add3A_112 : i32 to vector<16xi32>
      %add3A_114 = arith.addi %mul3A_84, %add3A_113 : vector<16xi32>
      %gather3A_115 = tpu.vector_load_idx %arg27[%add3A_114] : memref<30000xf32, #tpu.memory_space<vmem>>[vector<16xi32>], vector<16xf32>,
      %add3A_116 = arith.constant 2 : i32
      %add3A_117 = vector.broadcast %add3A_116 : i32 to vector<16xi32>
      %add3A_118 = arith.addi %mul3A_69, %add3A_117 : vector<16xi32>
      %gather3A_119 = tpu.vector_load_idx %arg27[%add3A_118] : memref<30000xf32, #tpu.memory_space<vmem>>[vector<16xi32>], vector<16xf32>,
      %add3A_120 = arith.constant 2 : i32
      %add3A_121 = vector.broadcast %add3A_120 : i32 to vector<16xi32>
      %add3A_122 = arith.addi %mul3A_74, %add3A_121 : vector<16xi32>
      %gather3A_123 = tpu.vector_load_idx %arg27[%add3A_122] : memref<30000xf32, #tpu.memory_space<vmem>>[vector<16xi32>], vector<16xf32>,
      %add3A_124 = arith.constant 2 : i32
      %add3A_125 = vector.broadcast %add3A_124 : i32 to vector<16xi32>
      %add3A_126 = arith.addi %mul3A_79, %add3A_125 : vector<16xi32>
      %gather3A_127 = tpu.vector_load_idx %arg27[%add3A_126] : memref<30000xf32, #tpu.memory_space<vmem>>[vector<16xi32>], vector<16xf32>,
      %add3A_128 = arith.constant 2 : i32
      %add3A_129 = vector.broadcast %add3A_128 : i32 to vector<16xi32>
      %add3A_130 = arith.addi %mul3A_84, %add3A_129 : vector<16xi32>
      %gather3A_131 = tpu.vector_load_idx %arg27[%add3A_130] : memref<30000xf32, #tpu.memory_space<vmem>>[vector<16xi32>], vector<16xf32>,
      %add3A_132 = arith.addf %gather3A, %gather3A_95 : vector<16xf32>
      %add3A_133 = arith.addf %gather3A_91, %gather3A_99 : vector<16xf32>
      %add3A_134 = arith.addf %add3A_132, %add3A_133 : vector<16xf32>
      %mul3A_135 = arith.constant 2.500000e-01 : f32
      %mul3A_136 = vector.broadcast %mul3A_135 : f32 to vector<16xf32>
      %mul3A_137 = arith.mulf %add3A_134, %mul3A_136 : vector<16xf32>
      %get3A_138 = arith.index_cast %mul3A_65 : i32 to index
      %get3A_139 = tpu.vector_load %arg32[%get3A_138] {strides = array<i32>} : memref<1024xf32, #tpu.memory_space<vmem>>, vector<16xf32>,
      %add3A_140 = arith.addf %mul3A_137, %get3A_139 : vector<16xf32>
      %mul3A_141 = arith.constant 5.000000e-01 : f32
      %mul3A_142 = vector.broadcast %mul3A_141 : f32 to vector<16xf32>
      %mul3A_143 = arith.mulf %mul3A_142, %add3A_140 : vector<16xf32>
      %add3A_144 = arith.addf %gather3A_103, %gather3A_111 : vector<16xf32>
      %add3A_145 = arith.addf %gather3A_107, %gather3A_115 : vector<16xf32>
      %add3A_146 = arith.addf %add3A_144, %add3A_145 : vector<16xf32>
      %mul3A_147 = arith.constant 2.500000e-01 : f32
      %mul3A_148 = vector.broadcast %mul3A_147 : f32 to vector<16xf32>
      %mul3A_149 = arith.mulf %add3A_146, %mul3A_148 : vector<16xf32>
      %get3A_150 = arith.index_cast %mul3A_65 : i32 to index
      %get3A_151 = tpu.vector_load %arg33[%get3A_150] {strides = array<i32>} : memref<1024xf32, #tpu.memory_space<vmem>>, vector<16xf32>,
      %add3A_152 = arith.addf %mul3A_149, %get3A_151 : vector<16xf32>
      %mul3A_153 = arith.constant 5.000000e-01 : f32
      %mul3A_154 = vector.broadcast %mul3A_153 : f32 to vector<16xf32>
      %mul3A_155 = arith.mulf %mul3A_154, %add3A_152 : vector<16xf32>
      %add3A_156 = arith.addf %gather3A_119, %gather3A_127 : vector<16xf32>
      %add3A_157 = arith.addf %gather3A_123, %gather3A_131 : vector<16xf32>
      %add3A_158 = arith.addf %add3A_156, %add3A_157 : vector<16xf32>
      %mul3A_159 = arith.constant 2.500000e-01 : f32
      %mul3A_160 = vector.broadcast %mul3A_159 : f32 to vector<16xf32>
      %mul3A_161 = arith.mulf %add3A_158, %mul3A_160 : vector<16xf32>
      %get3A_162 = arith.index_cast %mul3A_65 : i32 to index
      %get3A_163 = tpu.vector_load %arg34[%get3A_162] {strides = array<i32>} : memref<1024xf32, #tpu.memory_space<vmem>>, vector<16xf32>,
      %add3A_164 = arith.addf %mul3A_161, %get3A_163 : vector<16xf32>
      %mul3A_165 = arith.constant 5.000000e-01 : f32
      %mul3A_166 = vector.broadcast %mul3A_165 : f32 to vector<16xf32>
      %mul3A_167 = arith.mulf %mul3A_166, %add3A_164 : vector<16xf32>
      %mul3A_168 = arith.mulf %mul3A_143, %mul3A_143 : vector<16xf32>
      %mul3A_169 = arith.mulf %mul3A_167, %mul3A_167 : vector<16xf32>
      %add3A_170 = arith.addf %mul3A_168, %mul3A_169 : vector<16xf32>
      %mul3A_171 = arith.mulf %mul3A_155, %mul3A_155 : vector<16xf32>
      %add3A_172 = arith.addf %add3A_170, %mul3A_171 : vector<16xf32>
      %swap3A = arith.index_cast %mul3A_65 : i32 to index
      %swap3A_173 = tpu.vector_load %arg45[%swap3A] {strides = array<i32>} : memref<1024xf32, #tpu.memory_space<vmem>>, vector<16xf32>,
      tpu.vector_store %arg45[%swap3A], %add3A_172 {strides = array<i32>} : memref<1024xf32, #tpu.memory_space<vmem>>, vector<16xf32>,
      %sub3A = arith.subf %gather3A, %gather3A_91 : vector<16xf32>
      %sub3A_174 = arith.subf %gather3A_103, %gather3A_107 : vector<16xf32>
      %sub3A_175 = arith.subf %gather3A_119, %gather3A_123 : vector<16xf32>
      %mul3A_176 = arith.mulf %sub3A, %sub3A : vector<16xf32>
      %mul3A_177 = arith.mulf %sub3A_174, %sub3A_174 : vector<16xf32>
      %add3A_178 = arith.addf %mul3A_176, %mul3A_177 : vector<16xf32>
      %mul3A_179 = arith.mulf %sub3A_175, %sub3A_175 : vector<16xf32>
      %add3A_180 = arith.addf %add3A_178, %mul3A_179 : vector<16xf32>
      %sub3A_181 = arith.subf %gather3A, %gather3A_95 : vector<16xf32>
      %sub3A_182 = arith.subf %gather3A_103, %gather3A_111 : vector<16xf32>
      %sub3A_183 = arith.subf %gather3A_119, %gather3A_127 : vector<16xf32>
      %mul3A_184 = arith.mulf %sub3A_181, %sub3A_181 : vector<16xf32>
      %mul3A_185 = arith.mulf %sub3A_182, %sub3A_182 : vector<16xf32>
      %add3A_186 = arith.addf %mul3A_184, %mul3A_185 : vector<16xf32>
      %mul3A_187 = arith.mulf %sub3A_183, %sub3A_183 : vector<16xf32>
      %add3A_188 = arith.addf %add3A_186, %mul3A_187 : vector<16xf32>
      %min3A = arith.minimumf %add3A_180, %add3A_188 : vector<16xf32>
      %sub3A_189 = arith.subf %gather3A, %gather3A_99 : vector<16xf32>
      %sub3A_190 = arith.subf %gather3A_103, %gather3A_115 : vector<16xf32>
      %sub3A_191 = arith.subf %gather3A_119, %gather3A_131 : vector<16xf32>
      %mul3A_192 = arith.mulf %sub3A_189, %sub3A_189 : vector<16xf32>
      %mul3A_193 = arith.mulf %sub3A_190, %sub3A_190 : vector<16xf32>
      %add3A_194 = arith.addf %mul3A_192, %mul3A_193 : vector<16xf32>
      %mul3A_195 = arith.mulf %sub3A_191, %sub3A_191 : vector<16xf32>
      %add3A_196 = arith.addf %add3A_194, %mul3A_195 : vector<16xf32>
      %min3A_197 = arith.minimumf %min3A, %add3A_196 : vector<16xf32>
      %sub3A_198 = arith.subf %gather3A_91, %gather3A_95 : vector<16xf32>
      %sub3A_199 = arith.subf %gather3A_107, %gather3A_111 : vector<16xf32>
      %sub3A_200 = arith.subf %gather3A_123, %gather3A_127 : vector<16xf32>
      %mul3A_201 = arith.mulf %sub3A_198, %sub3A_198 : vector<16xf32>
      %mul3A_202 = arith.mulf %sub3A_199, %sub3A_199 : vector<16xf32>
      %add3A_203 = arith.addf %mul3A_201, %mul3A_202 : vector<16xf32>
      %mul3A_204 = arith.mulf %sub3A_200, %sub3A_200 : vector<16xf32>
      %add3A_205 = arith.addf %add3A_203, %mul3A_204 : vector<16xf32>
      %min3A_206 = arith.minimumf %min3A_197, %add3A_205 : vector<16xf32>
      %sub3A_207 = arith.subf %gather3A_91, %gather3A_99 : vector<16xf32>
      %sub3A_208 = arith.subf %gather3A_107, %gather3A_115 : vector<16xf32>
      %sub3A_209 = arith.subf %gather3A_123, %gather3A_131 : vector<16xf32>
      %mul3A_210 = arith.mulf %sub3A_207, %sub3A_207 : vector<16xf32>
      %mul3A_211 = arith.mulf %sub3A_208, %sub3A_208 : vector<16xf32>
      %add3A_212 = arith.addf %mul3A_210, %mul3A_211 : vector<16xf32>
      %mul3A_213 = arith.mulf %sub3A_209, %sub3A_209 : vector<16xf32>
      %add3A_214 = arith.addf %add3A_212, %mul3A_213 : vector<16xf32>
      %min3A_215 = arith.minimumf %min3A_206, %add3A_214 : vector<16xf32>
      %sub3A_216 = arith.subf %gather3A_95, %gather3A_99 : vector<16xf32>
      %sub3A_217 = arith.subf %gather3A_111, %gather3A_115 : vector<16xf32>
      %sub3A_218 = arith.subf %gather3A_127, %gather3A_131 : vector<16xf32>
      %mul3A_219 = arith.mulf %sub3A_216, %sub3A_216 : vector<16xf32>
      %mul3A_220 = arith.mulf %sub3A_217, %sub3A_217 : vector<16xf32>
      %add3A_221 = arith.addf %mul3A_219, %mul3A_220 : vector<16xf32>
      %mul3A_222 = arith.mulf %sub3A_218, %sub3A_218 : vector<16xf32>
      %add3A_223 = arith.addf %add3A_221, %mul3A_222 : vector<16xf32>
      %min3A_224 = arith.minimumf %min3A_215, %add3A_223 : vector<16xf32>
      %swap3A_225 = arith.index_cast %mul3A_65 : i32 to index
      %swap3A_226 = tpu.vector_load %arg46[%swap3A_225] {strides = array<i32>} : memref<1024xf32, #tpu.memory_space<vmem>>, vector<16xf32>,
      tpu.vector_store %arg46[%swap3A_225], %min3A_224 {strides = array<i32>} : memref<1024xf32, #tpu.memory_space<vmem>>, vector<16xf32>,
      %swap3A_227 = arith.index_cast %mul3A_65 : i32 to index
      %swap3A_228 = tpu.vector_load %arg42[%swap3A_227] {strides = array<i32>} : memref<1024xf32, #tpu.memory_space<vmem>>, vector<16xf32>,
      tpu.vector_store %arg42[%swap3A_227], %mul3A_143 {strides = array<i32>} : memref<1024xf32, #tpu.memory_space<vmem>>, vector<16xf32>,
      %swap3A_229 = arith.index_cast %mul3A_65 : i32 to index
      %swap3A_230 = tpu.vector_load %arg43[%swap3A_229] {strides = array<i32>} : memref<1024xf32, #tpu.memory_space<vmem>>, vector<16xf32>,
      tpu.vector_store %arg43[%swap3A_229], %mul3A_155 {strides = array<i32>} : memref<1024xf32, #tpu.memory_space<vmem>>, vector<16xf32>,
      %swap3A_231 = arith.index_cast %mul3A_65 : i32 to index
      %swap3A_232 = tpu.vector_load %arg44[%swap3A_231] {strides = array<i32>} : memref<1024xf32, #tpu.memory_space<vmem>>, vector<16xf32>,
      tpu.vector_store %arg44[%swap3A_231], %mul3A_167 {strides = array<i32>} : memref<1024xf32, #tpu.memory_space<vmem>>, vector<16xf32>,
      %scan3A_233 = arith.constant 0 : i32
      scf.yield %scan3A_233 : i32
    }
    %scan3A_34 = arith.constant 64 : i32
    %scan3A_35 = arith.constant 0 : i32
    %scan3A_36 = arith.constant 0 : i32
    %scan3A_37 = arith.constant 16 : i32
    %scan3A_38 = arith.addi %scan3A_36, %scan3A_37 : i32
    %scan3A_39 = arith.constant 1 : i32
    %scan3A_40 = scf.for %scan3A_62 = %scan3A_36 to %scan3A_38 step %scan3A_39 iter_args(%scan3A_63 = %scan3A_35) -> (i32)  : i32 {
      %mul3A_64 = arith.constant 16 : i32
      %mul3A_65 = arith.muli %scan3A_62, %mul3A_64 : i32
      %get3A = arith.index_cast %mul3A_65 : i32 to index
      %get3A_66 = tpu.vector_load %arg35[%get3A] {strides = array<i32>} : memref<256xi32, #tpu.memory_space<vmem>>, vector<16xi32>,
      %mul3A_67 = arith.constant 3 : i32
      %mul3A_68 = vector.broadcast %mul3A_67 : i32 to vector<16xi32>
      %mul3A_69 = arith.muli %get3A_66, %mul3A_68 : vector<16xi32>
      %get3A_70 = arith.index_cast %mul3A_65 : i32 to index
      %get3A_71 = tpu.vector_load %arg36[%get3A_70] {strides = array<i32>} : memref<256xi32, #tpu.memory_space<vmem>>, vector<16xi32>,
      %mul3A_72 = arith.constant 3 : i32
      %mul3A_73 = vector.broadcast %mul3A_72 : i32 to vector<16xi32>
      %mul3A_74 = arith.muli %get3A_71, %mul3A_73 : vector<16xi32>
      %get3A_75 = arith.index_cast %mul3A_65 : i32 to index
      %get3A_76 = tpu.vector_load %arg37[%get3A_75] {strides = array<i32>} : memref<256xi32, #tpu.memory_space<vmem>>, vector<16xi32>,
      %mul3A_77 = arith.constant 3 : i32
      %mul3A_78 = vector.broadcast %mul3A_77 : i32 to vector<16xi32>
      %mul3A_79 = arith.muli %get3A_76, %mul3A_78 : vector<16xi32>
      %get3A_80 = arith.index_cast %mul3A_65 : i32 to index
      %get3A_81 = tpu.vector_load %arg38[%get3A_80] {strides = array<i32>} : memref<256xi32, #tpu.memory_space<vmem>>, vector<16xi32>,
      %mul3A_82 = arith.constant 3 : i32
      %mul3A_83 = vector.broadcast %mul3A_82 : i32 to vector<16xi32>
      %mul3A_84 = arith.muli %get3A_81, %mul3A_83 : vector<16xi32>
      %add3A_85 = arith.constant 0 : i32
      %add3A_86 = vector.broadcast %add3A_85 : i32 to vector<16xi32>
      %add3A_87 = arith.addi %mul3A_69, %add3A_86 : vector<16xi32>
      %gather3A = tpu.vector_load_idx %arg27[%add3A_87] : memref<30000xf32, #tpu.memory_space<vmem>>[vector<16xi32>], vector<16xf32>,
      %add3A_88 = arith.constant 0 : i32
      %add3A_89 = vector.broadcast %add3A_88 : i32 to vector<16xi32>
      %add3A_90 = arith.addi %mul3A_74, %add3A_89 : vector<16xi32>
      %gather3A_91 = tpu.vector_load_idx %arg27[%add3A_90] : memref<30000xf32, #tpu.memory_space<vmem>>[vector<16xi32>], vector<16xf32>,
      %add3A_92 = arith.constant 0 : i32
      %add3A_93 = vector.broadcast %add3A_92 : i32 to vector<16xi32>
      %add3A_94 = arith.addi %mul3A_79, %add3A_93 : vector<16xi32>
      %gather3A_95 = tpu.vector_load_idx %arg27[%add3A_94] : memref<30000xf32, #tpu.memory_space<vmem>>[vector<16xi32>], vector<16xf32>,
      %add3A_96 = arith.constant 0 : i32
      %add3A_97 = vector.broadcast %add3A_96 : i32 to vector<16xi32>
      %add3A_98 = arith.addi %mul3A_84, %add3A_97 : vector<16xi32>
      %gather3A_99 = tpu.vector_load_idx %arg27[%add3A_98] : memref<30000xf32, #tpu.memory_space<vmem>>[vector<16xi32>], vector<16xf32>,
      %add3A_100 = arith.constant 1 : i32
      %add3A_101 = vector.broadcast %add3A_100 : i32 to vector<16xi32>
      %add3A_102 = arith.addi %mul3A_69, %add3A_101 : vector<16xi32>
      %gather3A_103 = tpu.vector_load_idx %arg27[%add3A_102] : memref<30000xf32, #tpu.memory_space<vmem>>[vector<16xi32>], vector<16xf32>,
      %add3A_104 = arith.constant 1 : i32
      %add3A_105 = vector.broadcast %add3A_104 : i32 to vector<16xi32>
      %add3A_106 = arith.addi %mul3A_74, %add3A_105 : vector<16xi32>
      %gather3A_107 = tpu.vector_load_idx %arg27[%add3A_106] : memref<30000xf32, #tpu.memory_space<vmem>>[vector<16xi32>], vector<16xf32>,
      %add3A_108 = arith.constant 1 : i32
      %add3A_109 = vector.broadcast %add3A_108 : i32 to vector<16xi32>
      %add3A_110 = arith.addi %mul3A_79, %add3A_109 : vector<16xi32>
      %gather3A_111 = tpu.vector_load_idx %arg27[%add3A_110] : memref<30000xf32, #tpu.memory_space<vmem>>[vector<16xi32>], vector<16xf32>,
      %add3A_112 = arith.constant 1 : i32
      %add3A_113 = vector.broadcast %add3A_112 : i32 to vector<16xi32>
      %add3A_114 = arith.addi %mul3A_84, %add3A_113 : vector<16xi32>
      %gather3A_115 = tpu.vector_load_idx %arg27[%add3A_114] : memref<30000xf32, #tpu.memory_space<vmem>>[vector<16xi32>], vector<16xf32>,
      %add3A_116 = arith.constant 2 : i32
      %add3A_117 = vector.broadcast %add3A_116 : i32 to vector<16xi32>
      %add3A_118 = arith.addi %mul3A_69, %add3A_117 : vector<16xi32>
      %gather3A_119 = tpu.vector_load_idx %arg27[%add3A_118] : memref<30000xf32, #tpu.memory_space<vmem>>[vector<16xi32>], vector<16xf32>,
      %add3A_120 = arith.constant 2 : i32
      %add3A_121 = vector.broadcast %add3A_120 : i32 to vector<16xi32>
      %add3A_122 = arith.addi %mul3A_74, %add3A_121 : vector<16xi32>
      %gather3A_123 = tpu.vector_load_idx %arg27[%add3A_122] : memref<30000xf32, #tpu.memory_space<vmem>>[vector<16xi32>], vector<16xf32>,
      %add3A_124 = arith.constant 2 : i32
      %add3A_125 = vector.broadcast %add3A_124 : i32 to vector<16xi32>
      %add3A_126 = arith.addi %mul3A_79, %add3A_125 : vector<16xi32>
      %gather3A_127 = tpu.vector_load_idx %arg27[%add3A_126] : memref<30000xf32, #tpu.memory_space<vmem>>[vector<16xi32>], vector<16xf32>,
      %add3A_128 = arith.constant 2 : i32
      %add3A_129 = vector.broadcast %add3A_128 : i32 to vector<16xi32>
      %add3A_130 = arith.addi %mul3A_84, %add3A_129 : vector<16xi32>
      %gather3A_131 = tpu.vector_load_idx %arg27[%add3A_130] : memref<30000xf32, #tpu.memory_space<vmem>>[vector<16xi32>], vector<16xf32>,
      %add3A_132 = arith.addf %gather3A, %gather3A_95 : vector<16xf32>
      %add3A_133 = arith.addf %gather3A_91, %gather3A_99 : vector<16xf32>
      %add3A_134 = arith.addf %add3A_132, %add3A_133 : vector<16xf32>
      %mul3A_135 = arith.constant 2.500000e-01 : f32
      %mul3A_136 = vector.broadcast %mul3A_135 : f32 to vector<16xf32>
      %mul3A_137 = arith.mulf %add3A_134, %mul3A_136 : vector<16xf32>
      %get3A_138 = arith.index_cast %mul3A_65 : i32 to index
      %get3A_139 = tpu.vector_load %arg39[%get3A_138] {strides = array<i32>} : memref<256xf32, #tpu.memory_space<vmem>>, vector<16xf32>,
      %add3A_140 = arith.addf %mul3A_137, %get3A_139 : vector<16xf32>
      %mul3A_141 = arith.constant 5.000000e-01 : f32
      %mul3A_142 = vector.broadcast %mul3A_141 : f32 to vector<16xf32>
      %mul3A_143 = arith.mulf %mul3A_142, %add3A_140 : vector<16xf32>
      %add3A_144 = arith.addf %gather3A_103, %gather3A_111 : vector<16xf32>
      %add3A_145 = arith.addf %gather3A_107, %gather3A_115 : vector<16xf32>
      %add3A_146 = arith.addf %add3A_144, %add3A_145 : vector<16xf32>
      %mul3A_147 = arith.constant 2.500000e-01 : f32
      %mul3A_148 = vector.broadcast %mul3A_147 : f32 to vector<16xf32>
      %mul3A_149 = arith.mulf %add3A_146, %mul3A_148 : vector<16xf32>
      %get3A_150 = arith.index_cast %mul3A_65 : i32 to index
      %get3A_151 = tpu.vector_load %arg40[%get3A_150] {strides = array<i32>} : memref<256xf32, #tpu.memory_space<vmem>>, vector<16xf32>,
      %add3A_152 = arith.addf %mul3A_149, %get3A_151 : vector<16xf32>
      %mul3A_153 = arith.constant 5.000000e-01 : f32
      %mul3A_154 = vector.broadcast %mul3A_153 : f32 to vector<16xf32>
      %mul3A_155 = arith.mulf %mul3A_154, %add3A_152 : vector<16xf32>
      %add3A_156 = arith.addf %gather3A_119, %gather3A_127 : vector<16xf32>
      %add3A_157 = arith.addf %gather3A_123, %gather3A_131 : vector<16xf32>
      %add3A_158 = arith.addf %add3A_156, %add3A_157 : vector<16xf32>
      %mul3A_159 = arith.constant 2.500000e-01 : f32
      %mul3A_160 = vector.broadcast %mul3A_159 : f32 to vector<16xf32>
      %mul3A_161 = arith.mulf %add3A_158, %mul3A_160 : vector<16xf32>
      %get3A_162 = arith.index_cast %mul3A_65 : i32 to index
      %get3A_163 = tpu.vector_load %arg41[%get3A_162] {strides = array<i32>} : memref<256xf32, #tpu.memory_space<vmem>>, vector<16xf32>,
      %add3A_164 = arith.addf %mul3A_161, %get3A_163 : vector<16xf32>
      %mul3A_165 = arith.constant 5.000000e-01 : f32
      %mul3A_166 = vector.broadcast %mul3A_165 : f32 to vector<16xf32>
      %mul3A_167 = arith.mulf %mul3A_166, %add3A_164 : vector<16xf32>
      %mul3A_168 = arith.mulf %mul3A_143, %mul3A_143 : vector<16xf32>
      %mul3A_169 = arith.mulf %mul3A_167, %mul3A_167 : vector<16xf32>
      %add3A_170 = arith.addf %mul3A_168, %mul3A_169 : vector<16xf32>
      %mul3A_171 = arith.mulf %mul3A_155, %mul3A_155 : vector<16xf32>
      %add3A_172 = arith.addf %add3A_170, %mul3A_171 : vector<16xf32>
      %swap3A = arith.index_cast %mul3A_65 : i32 to index
      %swap3A_173 = tpu.vector_load %arg50[%swap3A] {strides = array<i32>} : memref<256xf32, #tpu.memory_space<vmem>>, vector<16xf32>,
      tpu.vector_store %arg50[%swap3A], %add3A_172 {strides = array<i32>} : memref<256xf32, #tpu.memory_space<vmem>>, vector<16xf32>,
      %sub3A = arith.subf %gather3A, %gather3A_91 : vector<16xf32>
      %sub3A_174 = arith.subf %gather3A_103, %gather3A_107 : vector<16xf32>
      %sub3A_175 = arith.subf %gather3A_119, %gather3A_123 : vector<16xf32>
      %mul3A_176 = arith.mulf %sub3A, %sub3A : vector<16xf32>
      %mul3A_177 = arith.mulf %sub3A_174, %sub3A_174 : vector<16xf32>
      %add3A_178 = arith.addf %mul3A_176, %mul3A_177 : vector<16xf32>
      %mul3A_179 = arith.mulf %sub3A_175, %sub3A_175 : vector<16xf32>
      %add3A_180 = arith.addf %add3A_178, %mul3A_179 : vector<16xf32>
      %sub3A_181 = arith.subf %gather3A, %gather3A_95 : vector<16xf32>
      %sub3A_182 = arith.subf %gather3A_103, %gather3A_111 : vector<16xf32>
      %sub3A_183 = arith.subf %gather3A_119, %gather3A_127 : vector<16xf32>
      %mul3A_184 = arith.mulf %sub3A_181, %sub3A_181 : vector<16xf32>
      %mul3A_185 = arith.mulf %sub3A_182, %sub3A_182 : vector<16xf32>
      %add3A_186 = arith.addf %mul3A_184, %mul3A_185 : vector<16xf32>
      %mul3A_187 = arith.mulf %sub3A_183, %sub3A_183 : vector<16xf32>
      %add3A_188 = arith.addf %add3A_186, %mul3A_187 : vector<16xf32>
      %min3A = arith.minimumf %add3A_180, %add3A_188 : vector<16xf32>
      %sub3A_189 = arith.subf %gather3A, %gather3A_99 : vector<16xf32>
      %sub3A_190 = arith.subf %gather3A_103, %gather3A_115 : vector<16xf32>
      %sub3A_191 = arith.subf %gather3A_119, %gather3A_131 : vector<16xf32>
      %mul3A_192 = arith.mulf %sub3A_189, %sub3A_189 : vector<16xf32>
      %mul3A_193 = arith.mulf %sub3A_190, %sub3A_190 : vector<16xf32>
      %add3A_194 = arith.addf %mul3A_192, %mul3A_193 : vector<16xf32>
      %mul3A_195 = arith.mulf %sub3A_191, %sub3A_191 : vector<16xf32>
      %add3A_196 = arith.addf %add3A_194, %mul3A_195 : vector<16xf32>
      %min3A_197 = arith.minimumf %min3A, %add3A_196 : vector<16xf32>
      %sub3A_198 = arith.subf %gather3A_91, %gather3A_95 : vector<16xf32>
      %sub3A_199 = arith.subf %gather3A_107, %gather3A_111 : vector<16xf32>
      %sub3A_200 = arith.subf %gather3A_123, %gather3A_127 : vector<16xf32>
      %mul3A_201 = arith.mulf %sub3A_198, %sub3A_198 : vector<16xf32>
      %mul3A_202 = arith.mulf %sub3A_199, %sub3A_199 : vector<16xf32>
      %add3A_203 = arith.addf %mul3A_201, %mul3A_202 : vector<16xf32>
      %mul3A_204 = arith.mulf %sub3A_200, %sub3A_200 : vector<16xf32>
      %add3A_205 = arith.addf %add3A_203, %mul3A_204 : vector<16xf32>
      %min3A_206 = arith.minimumf %min3A_197, %add3A_205 : vector<16xf32>
      %sub3A_207 = arith.subf %gather3A_91, %gather3A_99 : vector<16xf32>
      %sub3A_208 = arith.subf %gather3A_107, %gather3A_115 : vector<16xf32>
      %sub3A_209 = arith.subf %gather3A_123, %gather3A_131 : vector<16xf32>
      %mul3A_210 = arith.mulf %sub3A_207, %sub3A_207 : vector<16xf32>
      %mul3A_211 = arith.mulf %sub3A_208, %sub3A_208 : vector<16xf32>
      %add3A_212 = arith.addf %mul3A_210, %mul3A_211 : vector<16xf32>
      %mul3A_213 = arith.mulf %sub3A_209, %sub3A_209 : vector<16xf32>
      %add3A_214 = arith.addf %add3A_212, %mul3A_213 : vector<16xf32>
      %min3A_215 = arith.minimumf %min3A_206, %add3A_214 : vector<16xf32>
      %sub3A_216 = arith.subf %gather3A_95, %gather3A_99 : vector<16xf32>
      %sub3A_217 = arith.subf %gather3A_111, %gather3A_115 : vector<16xf32>
      %sub3A_218 = arith.subf %gather3A_127, %gather3A_131 : vector<16xf32>
      %mul3A_219 = arith.mulf %sub3A_216, %sub3A_216 : vector<16xf32>
      %mul3A_220 = arith.mulf %sub3A_217, %sub3A_217 : vector<16xf32>
      %add3A_221 = arith.addf %mul3A_219, %mul3A_220 : vector<16xf32>
      %mul3A_222 = arith.mulf %sub3A_218, %sub3A_218 : vector<16xf32>
      %add3A_223 = arith.addf %add3A_221, %mul3A_222 : vector<16xf32>
      %min3A_224 = arith.minimumf %min3A_215, %add3A_223 : vector<16xf32>
      %swap3A_225 = arith.index_cast %mul3A_65 : i32 to index
      %swap3A_226 = tpu.vector_load %arg51[%swap3A_225] {strides = array<i32>} : memref<256xf32, #tpu.memory_space<vmem>>, vector<16xf32>,
      tpu.vector_store %arg51[%swap3A_225], %min3A_224 {strides = array<i32>} : memref<256xf32, #tpu.memory_space<vmem>>, vector<16xf32>,
      %swap3A_227 = arith.index_cast %mul3A_65 : i32 to index
      %swap3A_228 = tpu.vector_load %arg47[%swap3A_227] {strides = array<i32>} : memref<256xf32, #tpu.memory_space<vmem>>, vector<16xf32>,
      tpu.vector_store %arg47[%swap3A_227], %mul3A_143 {strides = array<i32>} : memref<256xf32, #tpu.memory_space<vmem>>, vector<16xf32>,
      %swap3A_229 = arith.index_cast %mul3A_65 : i32 to index
      %swap3A_230 = tpu.vector_load %arg48[%swap3A_229] {strides = array<i32>} : memref<256xf32, #tpu.memory_space<vmem>>, vector<16xf32>,
      tpu.vector_store %arg48[%swap3A_229], %mul3A_155 {strides = array<i32>} : memref<256xf32, #tpu.memory_space<vmem>>, vector<16xf32>,
      %swap3A_231 = arith.index_cast %mul3A_65 : i32 to index
      %swap3A_232 = tpu.vector_load %arg49[%swap3A_231] {strides = array<i32>} : memref<256xf32, #tpu.memory_space<vmem>>, vector<16xf32>,
      tpu.vector_store %arg49[%swap3A_231], %mul3A_167 {strides = array<i32>} : memref<256xf32, #tpu.memory_space<vmem>>, vector<16xf32>,
      %scan3A_233 = arith.constant 0 : i32
      scf.yield %scan3A_233 : i32
    }
    %scan3A_41 = arith.constant 16 : i32
    %mul3A_42 = arith.constant 1024 : i32
    %mul3A_43 = arith.muli %add3A, %mul3A_42 : i32
    "tpu.region"() ({
      %run_scoped3A = tpu.sem_alloc : memref<!tpu.dma_semaphore, #tpu.memory_space<semaphore_mem>>
      %dma_start3A = tpu.memref_slice %arg17[%mul3A_43] : memref<32768xf32, #tpu.memory_space<hbm>> -> memref<1024xf32, #tpu.memory_space<hbm>>
      %dma_start3A_62 = tpu.memref_slice %arg17[%mul3A_43] : memref<32768xf32, #tpu.memory_space<hbm>> -> memref<1024xf32, #tpu.memory_space<hbm>>
      tpu.enqueue_dma source(%arg42 : memref<1024xf32, #tpu.memory_space<vmem>>) target(%dma_start3A_62 : memref<1024xf32, #tpu.memory_space<hbm>>) target_semaphore(%run_scoped3A : memref<!tpu.dma_semaphore, #tpu.memory_space<semaphore_mem>>)
      %dma_wait3A = tpu.memref_slice %arg17[%mul3A_43] : memref<32768xf32, #tpu.memory_space<hbm>> -> memref<1024xf32, #tpu.memory_space<hbm>>
      %dma_wait3A_63 = tpu.memref_slice %arg17[%mul3A_43] : memref<32768xf32, #tpu.memory_space<hbm>> -> memref<1024xf32, #tpu.memory_space<hbm>>
      tpu.wait_dma2 semaphore(%run_scoped3A : memref<!tpu.dma_semaphore, #tpu.memory_space<semaphore_mem>>) src(%arg42 : memref<1024xf32, #tpu.memory_space<vmem>>) dst(%dma_wait3A_63 : memref<1024xf32, #tpu.memory_space<hbm>>)
      tpu.yield
    }) : () -> ()
    %mul3A_44 = arith.constant 256 : i32
    %mul3A_45 = arith.muli %add3A, %mul3A_44 : i32
    "tpu.region"() ({
      %run_scoped3A = tpu.sem_alloc : memref<!tpu.dma_semaphore, #tpu.memory_space<semaphore_mem>>
      %dma_start3A = tpu.memref_slice %arg22[%mul3A_45] : memref<8192xf32, #tpu.memory_space<hbm>> -> memref<256xf32, #tpu.memory_space<hbm>>
      %dma_start3A_62 = tpu.memref_slice %arg22[%mul3A_45] : memref<8192xf32, #tpu.memory_space<hbm>> -> memref<256xf32, #tpu.memory_space<hbm>>
      tpu.enqueue_dma source(%arg47 : memref<256xf32, #tpu.memory_space<vmem>>) target(%dma_start3A_62 : memref<256xf32, #tpu.memory_space<hbm>>) target_semaphore(%run_scoped3A : memref<!tpu.dma_semaphore, #tpu.memory_space<semaphore_mem>>)
      %dma_wait3A = tpu.memref_slice %arg22[%mul3A_45] : memref<8192xf32, #tpu.memory_space<hbm>> -> memref<256xf32, #tpu.memory_space<hbm>>
      %dma_wait3A_63 = tpu.memref_slice %arg22[%mul3A_45] : memref<8192xf32, #tpu.memory_space<hbm>> -> memref<256xf32, #tpu.memory_space<hbm>>
      tpu.wait_dma2 semaphore(%run_scoped3A : memref<!tpu.dma_semaphore, #tpu.memory_space<semaphore_mem>>) src(%arg47 : memref<256xf32, #tpu.memory_space<vmem>>) dst(%dma_wait3A_63 : memref<256xf32, #tpu.memory_space<hbm>>)
      tpu.yield
    }) : () -> ()
    %mul3A_46 = arith.constant 1024 : i32
    %mul3A_47 = arith.muli %add3A, %mul3A_46 : i32
    "tpu.region"() ({
      %run_scoped3A = tpu.sem_alloc : memref<!tpu.dma_semaphore, #tpu.memory_space<semaphore_mem>>
      %dma_start3A = tpu.memref_slice %arg18[%mul3A_47] : memref<32768xf32, #tpu.memory_space<hbm>> -> memref<1024xf32, #tpu.memory_space<hbm>>
      %dma_start3A_62 = tpu.memref_slice %arg18[%mul3A_47] : memref<32768xf32, #tpu.memory_space<hbm>> -> memref<1024xf32, #tpu.memory_space<hbm>>
      tpu.enqueue_dma source(%arg43 : memref<1024xf32, #tpu.memory_space<vmem>>) target(%dma_start3A_62 : memref<1024xf32, #tpu.memory_space<hbm>>) target_semaphore(%run_scoped3A : memref<!tpu.dma_semaphore, #tpu.memory_space<semaphore_mem>>)
      %dma_wait3A = tpu.memref_slice %arg18[%mul3A_47] : memref<32768xf32, #tpu.memory_space<hbm>> -> memref<1024xf32, #tpu.memory_space<hbm>>
      %dma_wait3A_63 = tpu.memref_slice %arg18[%mul3A_47] : memref<32768xf32, #tpu.memory_space<hbm>> -> memref<1024xf32, #tpu.memory_space<hbm>>
      tpu.wait_dma2 semaphore(%run_scoped3A : memref<!tpu.dma_semaphore, #tpu.memory_space<semaphore_mem>>) src(%arg43 : memref<1024xf32, #tpu.memory_space<vmem>>) dst(%dma_wait3A_63 : memref<1024xf32, #tpu.memory_space<hbm>>)
      tpu.yield
    }) : () -> ()
    %mul3A_48 = arith.constant 256 : i32
    %mul3A_49 = arith.muli %add3A, %mul3A_48 : i32
    "tpu.region"() ({
      %run_scoped3A = tpu.sem_alloc : memref<!tpu.dma_semaphore, #tpu.memory_space<semaphore_mem>>
      %dma_start3A = tpu.memref_slice %arg23[%mul3A_49] : memref<8192xf32, #tpu.memory_space<hbm>> -> memref<256xf32, #tpu.memory_space<hbm>>
      %dma_start3A_62 = tpu.memref_slice %arg23[%mul3A_49] : memref<8192xf32, #tpu.memory_space<hbm>> -> memref<256xf32, #tpu.memory_space<hbm>>
      tpu.enqueue_dma source(%arg48 : memref<256xf32, #tpu.memory_space<vmem>>) target(%dma_start3A_62 : memref<256xf32, #tpu.memory_space<hbm>>) target_semaphore(%run_scoped3A : memref<!tpu.dma_semaphore, #tpu.memory_space<semaphore_mem>>)
      %dma_wait3A = tpu.memref_slice %arg23[%mul3A_49] : memref<8192xf32, #tpu.memory_space<hbm>> -> memref<256xf32, #tpu.memory_space<hbm>>
      %dma_wait3A_63 = tpu.memref_slice %arg23[%mul3A_49] : memref<8192xf32, #tpu.memory_space<hbm>> -> memref<256xf32, #tpu.memory_space<hbm>>
      tpu.wait_dma2 semaphore(%run_scoped3A : memref<!tpu.dma_semaphore, #tpu.memory_space<semaphore_mem>>) src(%arg48 : memref<256xf32, #tpu.memory_space<vmem>>) dst(%dma_wait3A_63 : memref<256xf32, #tpu.memory_space<hbm>>)
      tpu.yield
    }) : () -> ()
    %mul3A_50 = arith.constant 1024 : i32
    %mul3A_51 = arith.muli %add3A, %mul3A_50 : i32
    "tpu.region"() ({
      %run_scoped3A = tpu.sem_alloc : memref<!tpu.dma_semaphore, #tpu.memory_space<semaphore_mem>>
      %dma_start3A = tpu.memref_slice %arg19[%mul3A_51] : memref<32768xf32, #tpu.memory_space<hbm>> -> memref<1024xf32, #tpu.memory_space<hbm>>
      %dma_start3A_62 = tpu.memref_slice %arg19[%mul3A_51] : memref<32768xf32, #tpu.memory_space<hbm>> -> memref<1024xf32, #tpu.memory_space<hbm>>
      tpu.enqueue_dma source(%arg44 : memref<1024xf32, #tpu.memory_space<vmem>>) target(%dma_start3A_62 : memref<1024xf32, #tpu.memory_space<hbm>>) target_semaphore(%run_scoped3A : memref<!tpu.dma_semaphore, #tpu.memory_space<semaphore_mem>>)
      %dma_wait3A = tpu.memref_slice %arg19[%mul3A_51] : memref<32768xf32, #tpu.memory_space<hbm>> -> memref<1024xf32, #tpu.memory_space<hbm>>
      %dma_wait3A_63 = tpu.memref_slice %arg19[%mul3A_51] : memref<32768xf32, #tpu.memory_space<hbm>> -> memref<1024xf32, #tpu.memory_space<hbm>>
      tpu.wait_dma2 semaphore(%run_scoped3A : memref<!tpu.dma_semaphore, #tpu.memory_space<semaphore_mem>>) src(%arg44 : memref<1024xf32, #tpu.memory_space<vmem>>) dst(%dma_wait3A_63 : memref<1024xf32, #tpu.memory_space<hbm>>)
      tpu.yield
    }) : () -> ()
    %mul3A_52 = arith.constant 256 : i32
    %mul3A_53 = arith.muli %add3A, %mul3A_52 : i32
    "tpu.region"() ({
      %run_scoped3A = tpu.sem_alloc : memref<!tpu.dma_semaphore, #tpu.memory_space<semaphore_mem>>
      %dma_start3A = tpu.memref_slice %arg24[%mul3A_53] : memref<8192xf32, #tpu.memory_space<hbm>> -> memref<256xf32, #tpu.memory_space<hbm>>
      %dma_start3A_62 = tpu.memref_slice %arg24[%mul3A_53] : memref<8192xf32, #tpu.memory_space<hbm>> -> memref<256xf32, #tpu.memory_space<hbm>>
      tpu.enqueue_dma source(%arg49 : memref<256xf32, #tpu.memory_space<vmem>>) target(%dma_start3A_62 : memref<256xf32, #tpu.memory_space<hbm>>) target_semaphore(%run_scoped3A : memref<!tpu.dma_semaphore, #tpu.memory_space<semaphore_mem>>)
      %dma_wait3A = tpu.memref_slice %arg24[%mul3A_53] : memref<8192xf32, #tpu.memory_space<hbm>> -> memref<256xf32, #tpu.memory_space<hbm>>
      %dma_wait3A_63 = tpu.memref_slice %arg24[%mul3A_53] : memref<8192xf32, #tpu.memory_space<hbm>> -> memref<256xf32, #tpu.memory_space<hbm>>
      tpu.wait_dma2 semaphore(%run_scoped3A : memref<!tpu.dma_semaphore, #tpu.memory_space<semaphore_mem>>) src(%arg49 : memref<256xf32, #tpu.memory_space<vmem>>) dst(%dma_wait3A_63 : memref<256xf32, #tpu.memory_space<hbm>>)
      tpu.yield
    }) : () -> ()
    %mul3A_54 = arith.constant 1024 : i32
    %mul3A_55 = arith.muli %add3A, %mul3A_54 : i32
    "tpu.region"() ({
      %run_scoped3A = tpu.sem_alloc : memref<!tpu.dma_semaphore, #tpu.memory_space<semaphore_mem>>
      %dma_start3A = tpu.memref_slice %arg20[%mul3A_55] : memref<32768xf32, #tpu.memory_space<hbm>> -> memref<1024xf32, #tpu.memory_space<hbm>>
      %dma_start3A_62 = tpu.memref_slice %arg20[%mul3A_55] : memref<32768xf32, #tpu.memory_space<hbm>> -> memref<1024xf32, #tpu.memory_space<hbm>>
      tpu.enqueue_dma source(%arg45 : memref<1024xf32, #tpu.memory_space<vmem>>) target(%dma_start3A_62 : memref<1024xf32, #tpu.memory_space<hbm>>) target_semaphore(%run_scoped3A : memref<!tpu.dma_semaphore, #tpu.memory_space<semaphore_mem>>)
      %dma_wait3A = tpu.memref_slice %arg20[%mul3A_55] : memref<32768xf32, #tpu.memory_space<hbm>> -> memref<1024xf32, #tpu.memory_space<hbm>>
      %dma_wait3A_63 = tpu.memref_slice %arg20[%mul3A_55] : memref<32768xf32, #tpu.memory_space<hbm>> -> memref<1024xf32, #tpu.memory_space<hbm>>
      tpu.wait_dma2 semaphore(%run_scoped3A : memref<!tpu.dma_semaphore, #tpu.memory_space<semaphore_mem>>) src(%arg45 : memref<1024xf32, #tpu.memory_space<vmem>>) dst(%dma_wait3A_63 : memref<1024xf32, #tpu.memory_space<hbm>>)
      tpu.yield
    }) : () -> ()
    %mul3A_56 = arith.constant 1024 : i32
    %mul3A_57 = arith.muli %add3A, %mul3A_56 : i32
    "tpu.region"() ({
      %run_scoped3A = tpu.sem_alloc : memref<!tpu.dma_semaphore, #tpu.memory_space<semaphore_mem>>
      %dma_start3A = tpu.memref_slice %arg21[%mul3A_57] : memref<32768xf32, #tpu.memory_space<hbm>> -> memref<1024xf32, #tpu.memory_space<hbm>>
      %dma_start3A_62 = tpu.memref_slice %arg21[%mul3A_57] : memref<32768xf32, #tpu.memory_space<hbm>> -> memref<1024xf32, #tpu.memory_space<hbm>>
      tpu.enqueue_dma source(%arg46 : memref<1024xf32, #tpu.memory_space<vmem>>) target(%dma_start3A_62 : memref<1024xf32, #tpu.memory_space<hbm>>) target_semaphore(%run_scoped3A : memref<!tpu.dma_semaphore, #tpu.memory_space<semaphore_mem>>)
      %dma_wait3A = tpu.memref_slice %arg21[%mul3A_57] : memref<32768xf32, #tpu.memory_space<hbm>> -> memref<1024xf32, #tpu.memory_space<hbm>>
      %dma_wait3A_63 = tpu.memref_slice %arg21[%mul3A_57] : memref<32768xf32, #tpu.memory_space<hbm>> -> memref<1024xf32, #tpu.memory_space<hbm>>
      tpu.wait_dma2 semaphore(%run_scoped3A : memref<!tpu.dma_semaphore, #tpu.memory_space<semaphore_mem>>) src(%arg46 : memref<1024xf32, #tpu.memory_space<vmem>>) dst(%dma_wait3A_63 : memref<1024xf32, #tpu.memory_space<hbm>>)
      tpu.yield
    }) : () -> ()
    %mul3A_58 = arith.constant 256 : i32
    %mul3A_59 = arith.muli %add3A, %mul3A_58 : i32
    "tpu.region"() ({
      %run_scoped3A = tpu.sem_alloc : memref<!tpu.dma_semaphore, #tpu.memory_space<semaphore_mem>>
      %dma_start3A = tpu.memref_slice %arg25[%mul3A_59] : memref<8192xf32, #tpu.memory_space<hbm>> -> memref<256xf32, #tpu.memory_space<hbm>>
      %dma_start3A_62 = tpu.memref_slice %arg25[%mul3A_59] : memref<8192xf32, #tpu.memory_space<hbm>> -> memref<256xf32, #tpu.memory_space<hbm>>
      tpu.enqueue_dma source(%arg50 : memref<256xf32, #tpu.memory_space<vmem>>) target(%dma_start3A_62 : memref<256xf32, #tpu.memory_space<hbm>>) target_semaphore(%run_scoped3A : memref<!tpu.dma_semaphore, #tpu.memory_space<semaphore_mem>>)
      %dma_wait3A = tpu.memref_slice %arg25[%mul3A_59] : memref<8192xf32, #tpu.memory_space<hbm>> -> memref<256xf32, #tpu.memory_space<hbm>>
      %dma_wait3A_63 = tpu.memref_slice %arg25[%mul3A_59] : memref<8192xf32, #tpu.memory_space<hbm>> -> memref<256xf32, #tpu.memory_space<hbm>>
      tpu.wait_dma2 semaphore(%run_scoped3A : memref<!tpu.dma_semaphore, #tpu.memory_space<semaphore_mem>>) src(%arg50 : memref<256xf32, #tpu.memory_space<vmem>>) dst(%dma_wait3A_63 : memref<256xf32, #tpu.memory_space<hbm>>)
      tpu.yield
    }) : () -> ()
    %mul3A_60 = arith.constant 256 : i32
    %mul3A_61 = arith.muli %add3A, %mul3A_60 : i32
    "tpu.region"() ({
      %run_scoped3A = tpu.sem_alloc : memref<!tpu.dma_semaphore, #tpu.memory_space<semaphore_mem>>
      %dma_start3A = tpu.memref_slice %arg26[%mul3A_61] : memref<8192xf32, #tpu.memory_space<hbm>> -> memref<256xf32, #tpu.memory_space<hbm>>
      %dma_start3A_62 = tpu.memref_slice %arg26[%mul3A_61] : memref<8192xf32, #tpu.memory_space<hbm>> -> memref<256xf32, #tpu.memory_space<hbm>>
      tpu.enqueue_dma source(%arg51 : memref<256xf32, #tpu.memory_space<vmem>>) target(%dma_start3A_62 : memref<256xf32, #tpu.memory_space<hbm>>) target_semaphore(%run_scoped3A : memref<!tpu.dma_semaphore, #tpu.memory_space<semaphore_mem>>)
      %dma_wait3A = tpu.memref_slice %arg26[%mul3A_61] : memref<8192xf32, #tpu.memory_space<hbm>> -> memref<256xf32, #tpu.memory_space<hbm>>
      %dma_wait3A_63 = tpu.memref_slice %arg26[%mul3A_61] : memref<8192xf32, #tpu.memory_space<hbm>> -> memref<256xf32, #tpu.memory_space<hbm>>
      tpu.wait_dma2 semaphore(%run_scoped3A : memref<!tpu.dma_semaphore, #tpu.memory_space<semaphore_mem>>) src(%arg51 : memref<256xf32, #tpu.memory_space<vmem>>) dst(%dma_wait3A_63 : memref<256xf32, #tpu.memory_space<hbm>>)
      tpu.yield
    }) : () -> ()
    return
  }
}

module attributes {stable_mosaic.version = 14 : i64} {
  func.func @_knn_body(%arg0: i32, %arg1: memref<256x8xf32, #tpu.memory_space<vmem>>, %arg2: memref<8x32768xf32, #tpu.memory_space<vmem>>, %arg3: memref<1x32768xf32, #tpu.memory_space<vmem>>, %arg4: memref<256x128xf32, #tpu.memory_space<vmem>>, %arg5: memref<1x1024xf32, #tpu.memory_space<vmem>>, %arg6: memref<1x256xf32, #tpu.memory_space<vmem>>, %arg7: memref<256x5xi32, #tpu.memory_space<vmem>>, %arg8: memref<256x5xf32, #tpu.memory_space<vmem>>, %arg9: memref<1x1024xf32, #tpu.memory_space<vmem>>, %arg10: memref<1x256xf32, #tpu.memory_space<vmem>>) attributes {dimension_semantics = [#tpu.dimension_semantics<arbitrary>], iteration_bounds = array<i64: 32>, scalar_prefetch = 0 : i64, scratch_operands = 0 : i64, tpu.core_type = #tpu.core_type<tc>, window_params = [{transform_indices = @transform_0, window_bounds = array<i64: 256, 8>}, {pipeline_mode = #tpu.pipeline_mode<synchronous>, transform_indices = @transform_1, window_bounds = array<i64: 8, 32768>}, {pipeline_mode = #tpu.pipeline_mode<synchronous>, transform_indices = @transform_2, window_bounds = array<i64: 1, 32768>}, {transform_indices = @transform_3, window_bounds = array<i64: 256, 128>}, {transform_indices = @transform_4, window_bounds = array<i64: 1, 1024>}, {transform_indices = @transform_5, window_bounds = array<i64: 1, 256>}, {transform_indices = @transform_6, window_bounds = array<i64: 256, 5>}, {transform_indices = @transform_7, window_bounds = array<i64: 256, 5>}, {transform_indices = @transform_8, window_bounds = array<i64: 1, 1024>}, {transform_indices = @transform_9, window_bounds = array<i64: 1, 256>}]} {
    %get3A = arith.constant 0 : index
    %get3A_0 = arith.constant 0 : index
    %get3A_1 = vector.load %arg1[%get3A, %get3A_0] : memref<256x8xf32, #tpu.memory_space<vmem>>, vector<256x8xf32>
    %convert_element_type3A = arith.truncf %get3A_1 : vector<256x8xf32> to vector<256x8xbf16>
    %get3A_2 = arith.constant 0 : index
    %get3A_3 = arith.constant 0 : index
    %get3A_4 = vector.load %arg4[%get3A_2, %get3A_3] : memref<256x128xf32, #tpu.memory_space<vmem>>, vector<256x128xf32>
    %slice3A = vector.extract_strided_slice %get3A_4 {offsets = [0, 0], sizes = [256, 1], strides = [1, 1]} : vector<256x128xf32> to vector<256x1xf32>
    %broadcast_in_dim3A = arith.constant 0x7F800000 : f32
    %broadcast_in_dim3A_5 = vector.broadcast %broadcast_in_dim3A : f32 to vector<256x5xf32>
    %broadcast_in_dim3A_6 = arith.constant 1073741824 : i32
    %broadcast_in_dim3A_7 = vector.broadcast %broadcast_in_dim3A_6 : i32 to vector<256x5xi32>
    %scan3A = arith.constant 0 : i32
    %scan3A_8 = arith.constant 4 : i32
    %scan3A_9 = arith.addi %scan3A, %scan3A_8 : i32
    %scan3A_10 = arith.constant 1 : i32
    %scan3A_11:2 = scf.for %scan3A_47 = %scan3A to %scan3A_9 step %scan3A_10 iter_args(%scan3A_48 = %broadcast_in_dim3A_5, %scan3A_49 = %broadcast_in_dim3A_7) -> (vector<256x5xf32>, vector<256x5xi32>)  : i32 {
      %mul3A = arith.constant 8192 : i32
      %mul3A_50 = arith.muli %scan3A_47, %mul3A : i32
      %get3A_51 = arith.constant 0 : index
      %get3A_52 = arith.index_cast %mul3A_50 : i32 to index
      %get3A_53 = vector.load %arg2[%get3A_51, %get3A_52] : memref<8x32768xf32, #tpu.memory_space<vmem>>, vector<8x8192xf32>
      %convert_element_type3A_54 = arith.truncf %get3A_53 : vector<8x8192xf32> to vector<8x8192xbf16>
      %dot_general3A = arith.constant dense<0.000000e+00> : vector<256x8192xf32>
      %dot_general3A_55 = tpu.matmul %convert_element_type3A, %convert_element_type3A_54, %dot_general3A {dimension_numbers = #tpu.dot_dimension_numbers<[1], [0], [0], [1], [0, 0, 1, 1], [], []>, transpose_lhs_hint = false} : vector<256x8xbf16>, vector<8x8192xbf16>, vector<256x8192xf32> -> vector<256x8192xf32>
      %mul3A_56 = arith.constant 8192 : i32
      %mul3A_57 = arith.muli %scan3A_47, %mul3A_56 : i32
      %get3A_58 = arith.constant 0 : index
      %get3A_59 = arith.index_cast %mul3A_57 : i32 to index
      %get3A_60 = vector.load %arg3[%get3A_58, %get3A_59] : memref<1x32768xf32, #tpu.memory_space<vmem>>, vector<1x8192xf32>
      %add3A_61 = vector.broadcast %slice3A : vector<256x1xf32> to vector<256x8192xf32>
      %add3A_62 = vector.broadcast %get3A_60 : vector<1x8192xf32> to vector<256x8192xf32>
      %add3A_63 = arith.addf %add3A_61, %add3A_62 : vector<256x8192xf32>
      %mul3A_64 = arith.constant 2.000000e+00 : f32
      %mul3A_65 = vector.broadcast %mul3A_64 : f32 to vector<256x8192xf32>
      %mul3A_66 = arith.mulf %dot_general3A_55, %mul3A_65 : vector<256x8192xf32>
      %sub3A_67 = arith.subf %add3A_63, %mul3A_66 : vector<256x8192xf32>
      %iota3A = tpu.iota {dimensions = array<i32: 1>} : vector<256x8192xi32>
      %mul3A_68 = arith.constant 8192 : i32
      %mul3A_69 = arith.muli %scan3A_47, %mul3A_68 : i32
      %reduce_min3A = arith.constant dense<0x7F800000> : vector<256xf32>
      %reduce_min3A_70 = vector.multi_reduction <minimumf>, %sub3A_67, %reduce_min3A [1] : vector<256x8192xf32> to vector<256xf32>
      %broadcast_in_dim3A_71 = vector.shape_cast %reduce_min3A_70 : vector<256xf32> to vector<256x1xf32>
      %eq3A = vector.broadcast %broadcast_in_dim3A_71 : vector<256x1xf32> to vector<256x8192xf32>
      %eq3A_72 = arith.cmpf oeq, %sub3A_67, %eq3A : vector<256x8192xf32>
      %jit3A = arith.constant 1073741824 : i32
      %broadcast_in_dim3A_73 = vector.broadcast %jit3A : i32 to vector<256x8192xi32>
      %select_n3A = arith.select %eq3A_72, %iota3A, %broadcast_in_dim3A_73 : vector<256x8192xi1>, vector<256x8192xi32>
      %reduce_min3A_74 = arith.constant dense<2147483647> : vector<256xi32>
      %reduce_min3A_75 = vector.multi_reduction <minsi>, %select_n3A, %reduce_min3A_74 [1] : vector<256x8192xi32> to vector<256xi32>
      %broadcast_in_dim3A_76 = vector.shape_cast %reduce_min3A_75 : vector<256xi32> to vector<256x1xi32>
      %eq3A_77 = vector.broadcast %broadcast_in_dim3A_76 : vector<256x1xi32> to vector<256x8192xi32>
      %eq3A_78 = arith.cmpi eq, %iota3A, %eq3A_77 : vector<256x8192xi32>
      %jit3A_79 = arith.constant 0x7F800000 : f32
      %broadcast_in_dim3A_80 = vector.broadcast %jit3A_79 : f32 to vector<256x8192xf32>
      %select_n3A_81 = arith.select %eq3A_78, %broadcast_in_dim3A_80, %sub3A_67 : vector<256x8192xi1>, vector<256x8192xf32>
      %add3A_82 = vector.broadcast %mul3A_69 : i32 to vector<256x1xi32>
      %add3A_83 = arith.addi %broadcast_in_dim3A_76, %add3A_82 : vector<256x1xi32>
      %reduce_min3A_84 = arith.constant dense<0x7F800000> : vector<256xf32>
      %reduce_min3A_85 = vector.multi_reduction <minimumf>, %select_n3A_81, %reduce_min3A_84 [1] : vector<256x8192xf32> to vector<256xf32>
      %broadcast_in_dim3A_86 = vector.shape_cast %reduce_min3A_85 : vector<256xf32> to vector<256x1xf32>
      %eq3A_87 = vector.broadcast %broadcast_in_dim3A_86 : vector<256x1xf32> to vector<256x8192xf32>
      %eq3A_88 = arith.cmpf oeq, %select_n3A_81, %eq3A_87 : vector<256x8192xf32>
      %jit3A_89 = arith.constant 1073741824 : i32
      %broadcast_in_dim3A_90 = vector.broadcast %jit3A_89 : i32 to vector<256x8192xi32>
      %select_n3A_91 = arith.select %eq3A_88, %iota3A, %broadcast_in_dim3A_90 : vector<256x8192xi1>, vector<256x8192xi32>
      %reduce_min3A_92 = arith.constant dense<2147483647> : vector<256xi32>
      %reduce_min3A_93 = vector.multi_reduction <minsi>, %select_n3A_91, %reduce_min3A_92 [1] : vector<256x8192xi32> to vector<256xi32>
      %broadcast_in_dim3A_94 = vector.shape_cast %reduce_min3A_93 : vector<256xi32> to vector<256x1xi32>
      %eq3A_95 = vector.broadcast %broadcast_in_dim3A_94 : vector<256x1xi32> to vector<256x8192xi32>
      %eq3A_96 = arith.cmpi eq, %iota3A, %eq3A_95 : vector<256x8192xi32>
      %jit3A_97 = arith.constant 0x7F800000 : f32
      %broadcast_in_dim3A_98 = vector.broadcast %jit3A_97 : f32 to vector<256x8192xf32>
      %select_n3A_99 = arith.select %eq3A_96, %broadcast_in_dim3A_98, %select_n3A_81 : vector<256x8192xi1>, vector<256x8192xf32>
      %add3A_100 = vector.broadcast %mul3A_69 : i32 to vector<256x1xi32>
      %add3A_101 = arith.addi %broadcast_in_dim3A_94, %add3A_100 : vector<256x1xi32>
      %reduce_min3A_102 = arith.constant dense<0x7F800000> : vector<256xf32>
      %reduce_min3A_103 = vector.multi_reduction <minimumf>, %select_n3A_99, %reduce_min3A_102 [1] : vector<256x8192xf32> to vector<256xf32>
      %broadcast_in_dim3A_104 = vector.shape_cast %reduce_min3A_103 : vector<256xf32> to vector<256x1xf32>
      %eq3A_105 = vector.broadcast %broadcast_in_dim3A_104 : vector<256x1xf32> to vector<256x8192xf32>
      %eq3A_106 = arith.cmpf oeq, %select_n3A_99, %eq3A_105 : vector<256x8192xf32>
      %jit3A_107 = arith.constant 1073741824 : i32
      %broadcast_in_dim3A_108 = vector.broadcast %jit3A_107 : i32 to vector<256x8192xi32>
      %select_n3A_109 = arith.select %eq3A_106, %iota3A, %broadcast_in_dim3A_108 : vector<256x8192xi1>, vector<256x8192xi32>
      %reduce_min3A_110 = arith.constant dense<2147483647> : vector<256xi32>
      %reduce_min3A_111 = vector.multi_reduction <minsi>, %select_n3A_109, %reduce_min3A_110 [1] : vector<256x8192xi32> to vector<256xi32>
      %broadcast_in_dim3A_112 = vector.shape_cast %reduce_min3A_111 : vector<256xi32> to vector<256x1xi32>
      %eq3A_113 = vector.broadcast %broadcast_in_dim3A_112 : vector<256x1xi32> to vector<256x8192xi32>
      %eq3A_114 = arith.cmpi eq, %iota3A, %eq3A_113 : vector<256x8192xi32>
      %jit3A_115 = arith.constant 0x7F800000 : f32
      %broadcast_in_dim3A_116 = vector.broadcast %jit3A_115 : f32 to vector<256x8192xf32>
      %select_n3A_117 = arith.select %eq3A_114, %broadcast_in_dim3A_116, %select_n3A_99 : vector<256x8192xi1>, vector<256x8192xf32>
      %add3A_118 = vector.broadcast %mul3A_69 : i32 to vector<256x1xi32>
      %add3A_119 = arith.addi %broadcast_in_dim3A_112, %add3A_118 : vector<256x1xi32>
      %reduce_min3A_120 = arith.constant dense<0x7F800000> : vector<256xf32>
      %reduce_min3A_121 = vector.multi_reduction <minimumf>, %select_n3A_117, %reduce_min3A_120 [1] : vector<256x8192xf32> to vector<256xf32>
      %broadcast_in_dim3A_122 = vector.shape_cast %reduce_min3A_121 : vector<256xf32> to vector<256x1xf32>
      %eq3A_123 = vector.broadcast %broadcast_in_dim3A_122 : vector<256x1xf32> to vector<256x8192xf32>
      %eq3A_124 = arith.cmpf oeq, %select_n3A_117, %eq3A_123 : vector<256x8192xf32>
      %jit3A_125 = arith.constant 1073741824 : i32
      %broadcast_in_dim3A_126 = vector.broadcast %jit3A_125 : i32 to vector<256x8192xi32>
      %select_n3A_127 = arith.select %eq3A_124, %iota3A, %broadcast_in_dim3A_126 : vector<256x8192xi1>, vector<256x8192xi32>
      %reduce_min3A_128 = arith.constant dense<2147483647> : vector<256xi32>
      %reduce_min3A_129 = vector.multi_reduction <minsi>, %select_n3A_127, %reduce_min3A_128 [1] : vector<256x8192xi32> to vector<256xi32>
      %broadcast_in_dim3A_130 = vector.shape_cast %reduce_min3A_129 : vector<256xi32> to vector<256x1xi32>
      %eq3A_131 = vector.broadcast %broadcast_in_dim3A_130 : vector<256x1xi32> to vector<256x8192xi32>
      %eq3A_132 = arith.cmpi eq, %iota3A, %eq3A_131 : vector<256x8192xi32>
      %jit3A_133 = arith.constant 0x7F800000 : f32
      %broadcast_in_dim3A_134 = vector.broadcast %jit3A_133 : f32 to vector<256x8192xf32>
      %select_n3A_135 = arith.select %eq3A_132, %broadcast_in_dim3A_134, %select_n3A_117 : vector<256x8192xi1>, vector<256x8192xf32>
      %add3A_136 = vector.broadcast %mul3A_69 : i32 to vector<256x1xi32>
      %add3A_137 = arith.addi %broadcast_in_dim3A_130, %add3A_136 : vector<256x1xi32>
      %reduce_min3A_138 = arith.constant dense<0x7F800000> : vector<256xf32>
      %reduce_min3A_139 = vector.multi_reduction <minimumf>, %select_n3A_135, %reduce_min3A_138 [1] : vector<256x8192xf32> to vector<256xf32>
      %broadcast_in_dim3A_140 = vector.shape_cast %reduce_min3A_139 : vector<256xf32> to vector<256x1xf32>
      %eq3A_141 = vector.broadcast %broadcast_in_dim3A_140 : vector<256x1xf32> to vector<256x8192xf32>
      %eq3A_142 = arith.cmpf oeq, %select_n3A_135, %eq3A_141 : vector<256x8192xf32>
      %jit3A_143 = arith.constant 1073741824 : i32
      %broadcast_in_dim3A_144 = vector.broadcast %jit3A_143 : i32 to vector<256x8192xi32>
      %select_n3A_145 = arith.select %eq3A_142, %iota3A, %broadcast_in_dim3A_144 : vector<256x8192xi1>, vector<256x8192xi32>
      %reduce_min3A_146 = arith.constant dense<2147483647> : vector<256xi32>
      %reduce_min3A_147 = vector.multi_reduction <minsi>, %select_n3A_145, %reduce_min3A_146 [1] : vector<256x8192xi32> to vector<256xi32>
      %broadcast_in_dim3A_148 = vector.shape_cast %reduce_min3A_147 : vector<256xi32> to vector<256x1xi32>
      %add3A_149 = vector.broadcast %mul3A_69 : i32 to vector<256x1xi32>
      %add3A_150 = arith.addi %broadcast_in_dim3A_148, %add3A_149 : vector<256x1xi32>
      %concatenate3A = tpu.concatenate %broadcast_in_dim3A_71, %broadcast_in_dim3A_86, %broadcast_in_dim3A_104, %broadcast_in_dim3A_122, %broadcast_in_dim3A_140 in 1 : vector<256x1xf32>, vector<256x1xf32>, vector<256x1xf32>, vector<256x1xf32>, vector<256x1xf32> -> vector<256x5xf32>
      %concatenate3A_151 = tpu.concatenate %add3A_83, %add3A_101, %add3A_119, %add3A_137, %add3A_150 in 1 : vector<256x1xi32>, vector<256x1xi32>, vector<256x1xi32>, vector<256x1xi32>, vector<256x1xi32> -> vector<256x5xi32>
      %concatenate3A_152 = tpu.concatenate %scan3A_48, %concatenate3A in 1 : vector<256x5xf32>, vector<256x5xf32> -> vector<256x10xf32>
      %concatenate3A_153 = tpu.concatenate %scan3A_49, %concatenate3A_151 in 1 : vector<256x5xi32>, vector<256x5xi32> -> vector<256x10xi32>
      %reduce_min3A_154 = arith.constant dense<0x7F800000> : vector<256xf32>
      %reduce_min3A_155 = vector.multi_reduction <minimumf>, %concatenate3A_152, %reduce_min3A_154 [1] : vector<256x10xf32> to vector<256xf32>
      %broadcast_in_dim3A_156 = vector.shape_cast %reduce_min3A_155 : vector<256xf32> to vector<256x1xf32>
      %eq3A_157 = vector.broadcast %broadcast_in_dim3A_156 : vector<256x1xf32> to vector<256x10xf32>
      %eq3A_158 = arith.cmpf oeq, %concatenate3A_152, %eq3A_157 : vector<256x10xf32>
      %jit3A_159 = arith.constant 1073741824 : i32
      %broadcast_in_dim3A_160 = vector.broadcast %jit3A_159 : i32 to vector<256x10xi32>
      %select_n3A_161 = arith.select %eq3A_158, %concatenate3A_153, %broadcast_in_dim3A_160 : vector<256x10xi1>, vector<256x10xi32>
      %reduce_min3A_162 = arith.constant dense<2147483647> : vector<256xi32>
      %reduce_min3A_163 = vector.multi_reduction <minsi>, %select_n3A_161, %reduce_min3A_162 [1] : vector<256x10xi32> to vector<256xi32>
      %broadcast_in_dim3A_164 = vector.shape_cast %reduce_min3A_163 : vector<256xi32> to vector<256x1xi32>
      %eq3A_165 = vector.broadcast %broadcast_in_dim3A_156 : vector<256x1xf32> to vector<256x10xf32>
      %eq3A_166 = arith.cmpf oeq, %concatenate3A_152, %eq3A_165 : vector<256x10xf32>
      %eq3A_167 = vector.broadcast %broadcast_in_dim3A_164 : vector<256x1xi32> to vector<256x10xi32>
      %eq3A_168 = arith.cmpi eq, %concatenate3A_153, %eq3A_167 : vector<256x10xi32>
      %and3A = arith.andi %eq3A_166, %eq3A_168 : vector<256x10xi1>
      %jit3A_169 = arith.constant 0x7F800000 : f32
      %broadcast_in_dim3A_170 = vector.broadcast %jit3A_169 : f32 to vector<256x10xf32>
      %select_n3A_171 = arith.select %and3A, %broadcast_in_dim3A_170, %concatenate3A_152 : vector<256x10xi1>, vector<256x10xf32>
      %reduce_min3A_172 = arith.constant dense<0x7F800000> : vector<256xf32>
      %reduce_min3A_173 = vector.multi_reduction <minimumf>, %select_n3A_171, %reduce_min3A_172 [1] : vector<256x10xf32> to vector<256xf32>
      %broadcast_in_dim3A_174 = vector.shape_cast %reduce_min3A_173 : vector<256xf32> to vector<256x1xf32>
      %eq3A_175 = vector.broadcast %broadcast_in_dim3A_174 : vector<256x1xf32> to vector<256x10xf32>
      %eq3A_176 = arith.cmpf oeq, %select_n3A_171, %eq3A_175 : vector<256x10xf32>
      %jit3A_177 = arith.constant 1073741824 : i32
      %broadcast_in_dim3A_178 = vector.broadcast %jit3A_177 : i32 to vector<256x10xi32>
      %select_n3A_179 = arith.select %eq3A_176, %concatenate3A_153, %broadcast_in_dim3A_178 : vector<256x10xi1>, vector<256x10xi32>
      %reduce_min3A_180 = arith.constant dense<2147483647> : vector<256xi32>
      %reduce_min3A_181 = vector.multi_reduction <minsi>, %select_n3A_179, %reduce_min3A_180 [1] : vector<256x10xi32> to vector<256xi32>
      %broadcast_in_dim3A_182 = vector.shape_cast %reduce_min3A_181 : vector<256xi32> to vector<256x1xi32>
      %eq3A_183 = vector.broadcast %broadcast_in_dim3A_174 : vector<256x1xf32> to vector<256x10xf32>
      %eq3A_184 = arith.cmpf oeq, %select_n3A_171, %eq3A_183 : vector<256x10xf32>
      %eq3A_185 = vector.broadcast %broadcast_in_dim3A_182 : vector<256x1xi32> to vector<256x10xi32>
      %eq3A_186 = arith.cmpi eq, %concatenate3A_153, %eq3A_185 : vector<256x10xi32>
      %and3A_187 = arith.andi %eq3A_184, %eq3A_186 : vector<256x10xi1>
      %jit3A_188 = arith.constant 0x7F800000 : f32
      %broadcast_in_dim3A_189 = vector.broadcast %jit3A_188 : f32 to vector<256x10xf32>
      %select_n3A_190 = arith.select %and3A_187, %broadcast_in_dim3A_189, %select_n3A_171 : vector<256x10xi1>, vector<256x10xf32>
      %reduce_min3A_191 = arith.constant dense<0x7F800000> : vector<256xf32>
      %reduce_min3A_192 = vector.multi_reduction <minimumf>, %select_n3A_190, %reduce_min3A_191 [1] : vector<256x10xf32> to vector<256xf32>
      %broadcast_in_dim3A_193 = vector.shape_cast %reduce_min3A_192 : vector<256xf32> to vector<256x1xf32>
      %eq3A_194 = vector.broadcast %broadcast_in_dim3A_193 : vector<256x1xf32> to vector<256x10xf32>
      %eq3A_195 = arith.cmpf oeq, %select_n3A_190, %eq3A_194 : vector<256x10xf32>
      %jit3A_196 = arith.constant 1073741824 : i32
      %broadcast_in_dim3A_197 = vector.broadcast %jit3A_196 : i32 to vector<256x10xi32>
      %select_n3A_198 = arith.select %eq3A_195, %concatenate3A_153, %broadcast_in_dim3A_197 : vector<256x10xi1>, vector<256x10xi32>
      %reduce_min3A_199 = arith.constant dense<2147483647> : vector<256xi32>
      %reduce_min3A_200 = vector.multi_reduction <minsi>, %select_n3A_198, %reduce_min3A_199 [1] : vector<256x10xi32> to vector<256xi32>
      %broadcast_in_dim3A_201 = vector.shape_cast %reduce_min3A_200 : vector<256xi32> to vector<256x1xi32>
      %eq3A_202 = vector.broadcast %broadcast_in_dim3A_193 : vector<256x1xf32> to vector<256x10xf32>
      %eq3A_203 = arith.cmpf oeq, %select_n3A_190, %eq3A_202 : vector<256x10xf32>
      %eq3A_204 = vector.broadcast %broadcast_in_dim3A_201 : vector<256x1xi32> to vector<256x10xi32>
      %eq3A_205 = arith.cmpi eq, %concatenate3A_153, %eq3A_204 : vector<256x10xi32>
      %and3A_206 = arith.andi %eq3A_203, %eq3A_205 : vector<256x10xi1>
      %jit3A_207 = arith.constant 0x7F800000 : f32
      %broadcast_in_dim3A_208 = vector.broadcast %jit3A_207 : f32 to vector<256x10xf32>
      %select_n3A_209 = arith.select %and3A_206, %broadcast_in_dim3A_208, %select_n3A_190 : vector<256x10xi1>, vector<256x10xf32>
      %reduce_min3A_210 = arith.constant dense<0x7F800000> : vector<256xf32>
      %reduce_min3A_211 = vector.multi_reduction <minimumf>, %select_n3A_209, %reduce_min3A_210 [1] : vector<256x10xf32> to vector<256xf32>
      %broadcast_in_dim3A_212 = vector.shape_cast %reduce_min3A_211 : vector<256xf32> to vector<256x1xf32>
      %eq3A_213 = vector.broadcast %broadcast_in_dim3A_212 : vector<256x1xf32> to vector<256x10xf32>
      %eq3A_214 = arith.cmpf oeq, %select_n3A_209, %eq3A_213 : vector<256x10xf32>
      %jit3A_215 = arith.constant 1073741824 : i32
      %broadcast_in_dim3A_216 = vector.broadcast %jit3A_215 : i32 to vector<256x10xi32>
      %select_n3A_217 = arith.select %eq3A_214, %concatenate3A_153, %broadcast_in_dim3A_216 : vector<256x10xi1>, vector<256x10xi32>
      %reduce_min3A_218 = arith.constant dense<2147483647> : vector<256xi32>
      %reduce_min3A_219 = vector.multi_reduction <minsi>, %select_n3A_217, %reduce_min3A_218 [1] : vector<256x10xi32> to vector<256xi32>
      %broadcast_in_dim3A_220 = vector.shape_cast %reduce_min3A_219 : vector<256xi32> to vector<256x1xi32>
      %eq3A_221 = vector.broadcast %broadcast_in_dim3A_212 : vector<256x1xf32> to vector<256x10xf32>
      %eq3A_222 = arith.cmpf oeq, %select_n3A_209, %eq3A_221 : vector<256x10xf32>
      %eq3A_223 = vector.broadcast %broadcast_in_dim3A_220 : vector<256x1xi32> to vector<256x10xi32>
      %eq3A_224 = arith.cmpi eq, %concatenate3A_153, %eq3A_223 : vector<256x10xi32>
      %and3A_225 = arith.andi %eq3A_222, %eq3A_224 : vector<256x10xi1>
      %jit3A_226 = arith.constant 0x7F800000 : f32
      %broadcast_in_dim3A_227 = vector.broadcast %jit3A_226 : f32 to vector<256x10xf32>
      %select_n3A_228 = arith.select %and3A_225, %broadcast_in_dim3A_227, %select_n3A_209 : vector<256x10xi1>, vector<256x10xf32>
      %reduce_min3A_229 = arith.constant dense<0x7F800000> : vector<256xf32>
      %reduce_min3A_230 = vector.multi_reduction <minimumf>, %select_n3A_228, %reduce_min3A_229 [1] : vector<256x10xf32> to vector<256xf32>
      %broadcast_in_dim3A_231 = vector.shape_cast %reduce_min3A_230 : vector<256xf32> to vector<256x1xf32>
      %eq3A_232 = vector.broadcast %broadcast_in_dim3A_231 : vector<256x1xf32> to vector<256x10xf32>
      %eq3A_233 = arith.cmpf oeq, %select_n3A_228, %eq3A_232 : vector<256x10xf32>
      %jit3A_234 = arith.constant 1073741824 : i32
      %broadcast_in_dim3A_235 = vector.broadcast %jit3A_234 : i32 to vector<256x10xi32>
      %select_n3A_236 = arith.select %eq3A_233, %concatenate3A_153, %broadcast_in_dim3A_235 : vector<256x10xi1>, vector<256x10xi32>
      %reduce_min3A_237 = arith.constant dense<2147483647> : vector<256xi32>
      %reduce_min3A_238 = vector.multi_reduction <minsi>, %select_n3A_236, %reduce_min3A_237 [1] : vector<256x10xi32> to vector<256xi32>
      %broadcast_in_dim3A_239 = vector.shape_cast %reduce_min3A_238 : vector<256xi32> to vector<256x1xi32>
      %concatenate3A_240 = tpu.concatenate %broadcast_in_dim3A_156, %broadcast_in_dim3A_174, %broadcast_in_dim3A_193, %broadcast_in_dim3A_212, %broadcast_in_dim3A_231 in 1 : vector<256x1xf32>, vector<256x1xf32>, vector<256x1xf32>, vector<256x1xf32>, vector<256x1xf32> -> vector<256x5xf32>
      %concatenate3A_241 = tpu.concatenate %broadcast_in_dim3A_164, %broadcast_in_dim3A_182, %broadcast_in_dim3A_201, %broadcast_in_dim3A_220, %broadcast_in_dim3A_239 in 1 : vector<256x1xi32>, vector<256x1xi32>, vector<256x1xi32>, vector<256x1xi32>, vector<256x1xi32> -> vector<256x5xi32>
      scf.yield %concatenate3A_240, %concatenate3A_241 : vector<256x5xf32>, vector<256x5xi32>
    }
    %scan3A_12 = arith.constant 4 : i32
    %swap3A = arith.constant 0 : index
    %swap3A_13 = arith.constant 0 : index
    %swap3A_14 = vector.load %arg7[%swap3A, %swap3A_13] : memref<256x5xi32, #tpu.memory_space<vmem>>, vector<256x5xi32>
    tpu.vector_store %arg7[%swap3A, %swap3A_13], %scan3A_11#1 {strides = array<i32>} : memref<256x5xi32, #tpu.memory_space<vmem>>, vector<256x5xi32>,
    %max3A = arith.constant 9.99999996E-13 : f32
    %max3A_15 = vector.broadcast %max3A : f32 to vector<256x5xf32>
    %max3A_16 = arith.maximumf %scan3A_11#0, %max3A_15 : vector<256x5xf32>
    %sqrt3A = math.sqrt %max3A_16 : vector<256x5xf32>
    %neg3A = arith.constant 0.000000e+00 : f32
    %neg3A_17 = vector.broadcast %neg3A : f32 to vector<256x5xf32>
    %neg3A_18 = arith.subf %neg3A_17, %sqrt3A : vector<256x5xf32>
    %reduce_max3A = arith.constant dense<0xFF800000> : vector<256xf32>
    %reduce_max3A_19 = vector.multi_reduction <maximumf>, %neg3A_18, %reduce_max3A [1] : vector<256x5xf32> to vector<256xf32>
    %broadcast_in_dim3A_20 = vector.shape_cast %reduce_max3A_19 : vector<256xf32> to vector<256x1xf32>
    %sub3A = vector.broadcast %broadcast_in_dim3A_20 : vector<256x1xf32> to vector<256x5xf32>
    %sub3A_21 = arith.subf %neg3A_18, %sub3A : vector<256x5xf32>
    %exp3A = math.exp %sub3A_21 : vector<256x5xf32>
    %reduce_sum3A = arith.constant dense<0.000000e+00> : vector<256xf32>
    %reduce_sum3A_22 = vector.multi_reduction <add>, %exp3A, %reduce_sum3A [1] : vector<256x5xf32> to vector<256xf32>
    %broadcast_in_dim3A_23 = vector.shape_cast %reduce_sum3A_22 : vector<256xf32> to vector<256x1xf32>
    %div3A = vector.broadcast %broadcast_in_dim3A_23 : vector<256x1xf32> to vector<256x5xf32>
    %div3A_24 = arith.divf %exp3A, %div3A : vector<256x5xf32>
    %swap3A_25 = arith.constant 0 : index
    %swap3A_26 = arith.constant 0 : index
    %swap3A_27 = vector.load %arg8[%swap3A_25, %swap3A_26] : memref<256x5xf32, #tpu.memory_space<vmem>>, vector<256x5xf32>
    tpu.vector_store %arg8[%swap3A_25, %swap3A_26], %div3A_24 {strides = array<i32>} : memref<256x5xf32, #tpu.memory_space<vmem>>, vector<256x5xf32>,
    %get3A_28 = arith.constant 0 : index
    %get3A_29 = arith.constant 0 : index
    %get3A_30 = vector.load %arg5[%get3A_28, %get3A_29] : memref<1x1024xf32, #tpu.memory_space<vmem>>, vector<1x1024xf32>
    %add3A = arith.constant 9.99999996E-13 : f32
    %add3A_31 = vector.broadcast %add3A : f32 to vector<1x1024xf32>
    %add3A_32 = arith.addf %get3A_30, %add3A_31 : vector<1x1024xf32>
    %sqrt3A_33 = math.sqrt %add3A_32 : vector<1x1024xf32>
    %swap3A_34 = arith.constant 0 : index
    %swap3A_35 = arith.constant 0 : index
    %swap3A_36 = vector.load %arg9[%swap3A_34, %swap3A_35] : memref<1x1024xf32, #tpu.memory_space<vmem>>, vector<1x1024xf32>
    tpu.vector_store %arg9[%swap3A_34, %swap3A_35], %sqrt3A_33 {strides = array<i32>} : memref<1x1024xf32, #tpu.memory_space<vmem>>, vector<1x1024xf32>,
    %get3A_37 = arith.constant 0 : index
    %get3A_38 = arith.constant 0 : index
    %get3A_39 = vector.load %arg6[%get3A_37, %get3A_38] : memref<1x256xf32, #tpu.memory_space<vmem>>, vector<1x256xf32>
    %add3A_40 = arith.constant 9.99999996E-13 : f32
    %add3A_41 = vector.broadcast %add3A_40 : f32 to vector<1x256xf32>
    %add3A_42 = arith.addf %get3A_39, %add3A_41 : vector<1x256xf32>
    %sqrt3A_43 = math.sqrt %add3A_42 : vector<1x256xf32>
    %swap3A_44 = arith.constant 0 : index
    %swap3A_45 = arith.constant 0 : index
    %swap3A_46 = vector.load %arg10[%swap3A_44, %swap3A_45] : memref<1x256xf32, #tpu.memory_space<vmem>>, vector<1x256xf32>
    tpu.vector_store %arg10[%swap3A_44, %swap3A_45], %sqrt3A_43 {strides = array<i32>} : memref<1x256xf32, #tpu.memory_space<vmem>>, vector<1x256xf32>,
    return
  }
  func.func @transform_0(%arg0: i32) -> (i32, i32) {
    %c0_i32 = arith.constant 0 : i32
    %c0_i32_0 = arith.constant 0 : i32
    return %arg0, %c0_i32 : i32, i32
  }
  func.func @transform_1(%arg0: i32) -> (i32, i32) {
    %c0_i32 = arith.constant 0 : i32
    %c0_i32_0 = arith.constant 0 : i32
    %c0_i32_1 = arith.constant 0 : i32
    return %c0_i32, %c0_i32_0 : i32, i32
  }
  func.func @transform_2(%arg0: i32) -> (i32, i32) {
    %c0_i32 = arith.constant 0 : i32
    %c0_i32_0 = arith.constant 0 : i32
    %c0_i32_1 = arith.constant 0 : i32
    return %c0_i32, %c0_i32_0 : i32, i32
  }
  func.func @transform_3(%arg0: i32) -> (i32, i32) {
    %c0_i32 = arith.constant 0 : i32
    %c0_i32_0 = arith.constant 0 : i32
    return %arg0, %c0_i32 : i32, i32
  }
  func.func @transform_4(%arg0: i32) -> (i32, i32) {
    %c0_i32 = arith.constant 0 : i32
    %c0_i32_0 = arith.constant 0 : i32
    return %c0_i32, %arg0 : i32, i32
  }
  func.func @transform_5(%arg0: i32) -> (i32, i32) {
    %c0_i32 = arith.constant 0 : i32
    %c0_i32_0 = arith.constant 0 : i32
    return %c0_i32, %arg0 : i32, i32
  }
  func.func @transform_6(%arg0: i32) -> (i32, i32) {
    %c0_i32 = arith.constant 0 : i32
    %c0_i32_0 = arith.constant 0 : i32
    return %arg0, %c0_i32 : i32, i32
  }
  func.func @transform_7(%arg0: i32) -> (i32, i32) {
    %c0_i32 = arith.constant 0 : i32
    %c0_i32_0 = arith.constant 0 : i32
    return %arg0, %c0_i32 : i32, i32
  }
  func.func @transform_8(%arg0: i32) -> (i32, i32) {
    %c0_i32 = arith.constant 0 : i32
    %c0_i32_0 = arith.constant 0 : i32
    return %c0_i32, %arg0 : i32, i32
  }
  func.func @transform_9(%arg0: i32) -> (i32, i32) {
    %c0_i32 = arith.constant 0 : i32
    %c0_i32_0 = arith.constant 0 : i32
    return %c0_i32, %arg0 : i32, i32
  }
}

</mosaic_0001>

<sc_bundles>
// kernel: kernel.5.cloned.1.call-start
scs
__scs_entry_jumppad:
0x0: {  	(pc) =	sbr.rel $0x88, $3  }
0x1: {  	(tag) =	ssettag $0x0;
	lr =	simm.s32 $0x1  }
0x2: {  	[smem:$0x3F9C] =	sst lr;
	_ =	strace $0xD0000000  }
0x3: {  	_ = 	snop  }
0x4: {  	_ = 	snop  }
0x5: {  	_ = 	snop  }
0x6: {  	_ = 	snop  }
0x7: {  	_ = 	snop  }
__scs_overlays_trampoline_lowered:
0x8: {  	[smem:$0x3FAB] =	sst s0  }
0x9: {  	[smem:$0x3FAC] =	sst s1  }
0xa: {  	[smem:$0x3FAD] =	sst s2  }
0xb: {  	[smem:$0x3FAE] =	sst s3  }
0xc: {  	[smem:$0x3FAF] =	sst s4  }
0xd: {  	[smem:$0x3FB0] =	sst s5  }
0xe: {  	[smem:$0x3FB1] =	sst s6  }
0xf: {  	[smem:$0x3FB2] =	sst s7  }
0x10: {  	[smem:$0x3FB3] =	sst s8  }
0x11: {  	[smem:$0x3FB4] =	sst s9;
	s0 =	simm.s32 @!p0 $0x0  }
0x12: {  	s1 =	sld [smem:$0x3F9A];
	s0 =	simm.s32 @p0 $0x1  }
0x13: {  	[smem:$0x3FB5] =	sst s0;
	s0 =	simm.s32 @!p1 $0x0  }
0x14: {  	s2 =	sld [smem:$0x3F99];
	s0 =	simm.s32 @p1 $0x1  }
0x15: {  	[smem:$0x3FB6] =	sst s0;
	s0 =	simm.s32 @!p2 $0x0  }
0x16: {  	s3 =	sld [smem:$0x3FDB];
	s0 =	simm.s32 @p2 $0x1  }
0x17: {  	s4 =	simm.s32 $0x1BF5;
	[smem:$0x3FB8] =	sst s0  }
0x18: {  	s0 =	sld [smem:$0x3F9B];
	_ =	swait.ge [sflag:s4], $0x0  }
0x19: {  	s7 =	sld [smem:$0x3F9C]  }
0x1a: {  	s8 =	sadd.s32 $0xFFFFE003, lr  }
0x1b: {  	s9 =	sadd.s32 $0xFFFFFEF7, lr;
	s5 =	simm.s32 $0xFFFFFFFF;
	p2 =	slt.u32 s8, $0xFFFFF086  }
0x1c: {  	p1 =	slt.u32 s9, $0xF7A;
	s5 =	simm.s32 @!p2 $0x0  }
0x1d: {  	s5 =	simm.s32 @p1 $0x1;
	p0 =	seq.s32 s7, s2  }
0x1e: {  	s7 =	smul.u32 @!p0 $0xF7A, s2;
	p2 =	seq.s32 @!p0 s5, $0x0  }
0x1f: {  	s9 =	smul.u32 $0xF7A, s1;
	s8 =	simm.s32 @!p0 $0x1BF5;
	p2 =	por !p2, p0  }
0x20: {  	[sflag:s8] =	ssyncset.s32 @!p0 $0xFFFFF086;
	s6 =	sadd.s32 @!p0 s3, s7;
	s7 =	simm.s32 @!p0 $0x108  }
0x21: {  	s3 =	sadd.s32 s3, s9;
	s6 =	sadd.s32 @!p0 $0x88, s6;
	s7 =	simm.s32 @p2 $0x1082  }
0x22: {  	[simem:s7], [sflag:s8] =	dma.local @!p0 [hbm:s6], $0xF7A  }
0x23: {  	s9 =	sor.u32 $0xD0000000, s2;
	s6 =	simm.s32 $0x108;
	_ =	swait.ge @!p0 [sflag:s8], $0x0  }
0x24: {  	s3 =	sadd.s32 $0x88, s3;
	s6 =	simm.s32 @!p1 $0x1082;
	[sflag:s4] =	ssyncset.s32 $0xFFFFF086  }
0x25: {  	[simem:s6], [sflag:s4] =	dma.local [hbm:s3], $0xF7A  }
0x26: {  	[smem:$0x3F9C] =	sst s1;
	(tag) =	ssettag s2;
	_ =	strace s9  }
0x27: {  	s1 =	sld [smem:$0x3FAC]  }
0x28: {  	s2 =	sld [smem:$0x3FAD]  }
0x29: {  	s4 =	sld [smem:$0x3FAF]  }
0x2a: {  	p0 =	seq.s32 s5, $0x0;
	s5 =	sld [smem:$0x3FB0]  }
0x2b: {  	s6 =	sld [smem:$0x3FB1]  }
0x2c: {  	s7 =	sld [smem:$0x3FB2]  }
0x2d: {  	s3 =	simm.s32 $0x108;
	s8 =	sld [smem:$0x3FB3]  }
0x2e: {  	s3 =	simm.s32 @!p0 $0x1082;
	s9 =	sld [smem:$0x3FB4]  }
0x2f: {  	lr =	sadd.s32 s0, s3;
	s0 =	sld [smem:$0x3FAB]  }
0x30: {  	s3 =	sld [smem:$0x3FAE]  }
0x31: {  	[smem:$0x3FB7] =	sst s10  }
0x32: {  	s10 =	sld [smem:$0x3FB5];
	_ =	sdelay $0x3  }
0x33: {  	p0 =	seq.s32 s10, $0x1;
	s10 =	sld [smem:$0x3FB7];
	_ =	sdelay $0x3  }
0x34: {  	[smem:$0x3FB7] =	sst s10  }
0x35: {  	s10 =	sld [smem:$0x3FB6];
	_ =	sdelay $0x3  }
0x36: {  	p1 =	seq.s32 s10, $0x1;
	s10 =	sld [smem:$0x3FB7];
	_ =	sdelay $0x3  }
0x37: {  	[smem:$0x3FB7] =	sst s10  }
0x38: {  	s10 =	sld [smem:$0x3FB8]  }
0x39: {  	_ = 	snop;
	(pc) =	sbr.ind lr, $3  }
0x3a: {  	_ = 	snop  }
0x3b: {  	_ = 	snop  }
0x3c: {  	p2 =	seq.s32 s10, $0x1;
	s10 =	sld [smem:$0x3FB7]  }
0x3d: {  	_ =	shalt  }
0x3e: {  	_ =	shalt  }
0x3f: {  	_ =	shalt  }
0x40: {  	_ =	shalt  }
0x41: {  	_ =	shalt  }
0x42: {  	_ =	shalt  }
0x43: {  	_ =	shalt  }
0x44: {  	_ =	shalt  }
0x45: {  	_ =	shalt  }
0x46: {  	_ =	shalt  }
0x47: {  	_ =	shalt  }
0x48: {  	_ =	shalt  }
0x49: {  	_ =	shalt  }
0x4a: {  	_ =	shalt  }
0x4b: {  	_ =	shalt  }
0x4c: {  	_ =	shalt  }
0x4d: {  	_ =	shalt  }
0x4e: {  	_ =	shalt  }
0x4f: {  	_ =	shalt  }
0x50: {  	_ =	shalt  }
0x51: {  	_ =	shalt  }
0x52: {  	_ =	shalt  }
0x53: {  	_ =	shalt  }
0x54: {  	_ =	shalt  }
0x55: {  	_ =	shalt  }
0x56: {  	_ =	shalt  }
0x57: {  	_ =	shalt  }
0x58: {  	_ =	shalt  }
0x59: {  	_ =	shalt  }
0x5a: {  	_ =	shalt  }
0x5b: {  	_ =	shalt  }
0x5c: {  	_ =	shalt  }
0x5d: {  	_ =	shalt  }
0x5e: {  	_ =	shalt  }
0x5f: {  	_ =	shalt  }
0x60: {  	_ =	shalt  }
0x61: {  	_ =	shalt  }
0x62: {  	_ =	shalt  }
0x63: {  	_ =	shalt  }
0x64: {  	_ =	shalt  }
0x65: {  	_ =	shalt  }
0x66: {  	_ =	shalt  }
0x67: {  	_ =	shalt  }
0x68: {  	_ =	shalt  }
0x69: {  	_ =	shalt  }
0x6a: {  	_ =	shalt  }
0x6b: {  	_ =	shalt  }
0x6c: {  	_ =	shalt  }
0x6d: {  	_ =	shalt  }
0x6e: {  	_ =	shalt  }
0x6f: {  	_ =	shalt  }
0x70: {  	_ =	shalt  }
0x71: {  	_ =	shalt  }
0x72: {  	_ =	shalt  }
0x73: {  	_ =	shalt  }
0x74: {  	_ =	shalt  }
0x75: {  	_ =	shalt  }
0x76: {  	_ =	shalt  }
0x77: {  	_ =	shalt  }
0x78: {  	_ =	shalt  }
0x79: {  	_ =	shalt  }
0x7a: {  	_ =	shalt  }
0x7b: {  	_ =	shalt  }
0x7c: {  	_ =	shalt  }
0x7d: {  	_ =	shalt  }
0x7e: {  	_ =	shalt  }
0x7f: {  	_ =	shalt  }
0x80: {  	_ =	shalt  }
0x81: {  	_ =	shalt  }
0x82: {  	_ =	shalt  }
0x83: {  	_ =	shalt  }
0x84: {  	_ =	shalt  }
0x85: {  	_ =	shalt  }
0x86: {  	_ =	shalt  }
0x87: {  	_ =	shalt  }
.Lfunc_end0:
.L_simem_size_0:
called_computation_lowered:
.L_overlay_start_0:
0x88: {  	s2 =	sld [smem:$0x3FD9]  }
0x89: {  	s3 =	sld [smem:$0x3FFE];
	_ =	sdelay $0x1  }
0x8a: {  	s1 =	srdreg.scid  }
0x8b: {  	s0 =	sand.u32 $0x1, s1  }
0x8c: {  	s14 =	sshll.u32 s0, $0xA;
	s2 =	sadd.s32 s3, s2  }
0x8d: {  	s2 =	sadd.s32 s2, s14  }
0x8e: {  	[smem:$0x3FC3] =	sst s2  }
0x8f: {  	_ = 	snop  }
0x90: {  	s2 =	sld [smem:$0x3FD0];
	_ =	sdelay $0x2  }
0x91: {  	s15 =	simm.s32 $0xA;
	s4 =	simm.s32 $0x10  }
0x92: {  	[smem:s4], [sflag:s15] =	dma.local [hbm:s2], $0x1  }
0x93: {  	_ =	swait.eq [sflag:s15], $0x1  }
0x94: {  	s16 =	sld [smem:$0x10];
	[sflag:s15] =	ssyncset.done $0x0  }
0x95: {  	s17 =	sld [smem:$0x11];
	[sflag:s15] =	ssyncadd.s32 $0xFFFFFFFF  }
0x96: {  	s18 =	sld [smem:$0x12];
	(tm) =	ssettm $0x1  }
0x97: {  	s5 =	sld [smem:$0x3FFB];
	_ =	sdelay $0x3  }
0x98: {  	_ =	strace s5  }
0x99: {  	s5 =	sld [smem:$0x3FFC];
	_ =	sdelay $0x3  }
0x9a: {  	_ =	strace s5  }
0x9b: {  	s5 =	sld [smem:$0x3FFD];
	_ =	sdelay $0x3  }
0x9c: {  	_ =	strace s5  }
0x9d: {  	_ =	strace $0x8FFFFFFF  }
0x9e: {  	s19 =	sld [smem:$0x3FDB];
	_ =	sdelay $0x1  }
0x9f: {  	s6 =	simm.s32 $_scs_section_size  }
0xa0: {  	s7 =	simm.s32 $_size__tile_overlayer_lowered;
	s8 =	simm.s32 $_tile_overlayer_lowered  }
0xa1: {  	s22 =	simm.s32 $0x1BFF;
	s21 =	sshll.u32 s8, $0x1;
	s5 =	sadd.s32 s6, s19  }
0xa2: {  	s9 =	simm.s32 $0x0;
	s20 =	sshll.u32 s7, $0x1;
	s7 =	sadd.s32 s21, s5  }
0xa3: {  	[timem:s9], [sflag:s22] =	dma.local [hbm:s7], s20  }
0xa4: {  	_ =	swait.ge [sflag:s22], s20  }
0xa5: {  	s6 =	ssub.s32 $0x0, s20;
	[sflag:s22] =	ssyncset.done $0x0  }
0xa6: {  	[sflag:s22] =	ssyncadd.s32 s6;
	_ =	sdelay $0x1  }
0xa7: {  	s23 =	simm.s32 $0x1B8B  }
0xa8: {  	_ =	swait.ge [sflag:s23], $0x1  }
0xa9: {  	[sflag:s23] =	ssyncset.done $0x0  }
0xaa: {  	s25 =	simm.s32 $0x1B8E;
	s24 =	sld [smem:$0x3FFE];
	[sflag:s23] =	ssyncadd.s32 $0xFFFFFFFF  }
0xab: {  	s26 =	simm.s32 $execute0_lowered;
	[smem:$0x3FD2] =	sst s25  }
0xac: {  	s7 =	sshll.u32 s26, $0x1;
	_ =	strace $0x80000046;
	[dreg:$0x1] =	wrdreg $0xFFFFFFFF  }
0xad: {  	s28 =	simm.s32 $_size_execute0_lowered;
	s5 =	sadd.s32 s5, s7;
	[dreg:$0x0] =	wrdreg $0x0  }
0xae: {  	s7 =	sshll.u32 s28, $0x1;
	[dreg:$0x2] =	wrdreg s5  }
0xaf: {  	[dreg:$0x3] =	wrdreg s7  }
0xb0: {  	[dreg:$0x4] =	wrdreg $0xC0  }
0xb1: {  	_ =	task [dreg:s9], $0x5FFFF  }
0xb2: {  	[dreg:$0x1] =	wrdreg $0xFFFFFFFF  }
0xb3: {  	[dreg:$0x0] =	wrdreg $0x60  }
0xb4: {  	[dreg:$0x2] =	wrdreg s24  }
0xb5: {  	[dreg:$0x3] =	wrdreg s16  }
0xb6: {  	[dreg:$0x4] =	wrdreg s17  }
0xb7: {  	[dreg:$0x5] =	wrdreg s18  }
0xb8: {  	[dreg:$0x6] =	wrdreg $0x9  }
0xb9: {  	_ =	task.clear_ibuf [dreg:s9], $0x7FFFF;
	_ =	strace $0x90000046  }
0xba: {  	s29 =	simm.s32 $0x9;
	_ =	strace $0x80000048  }
0xbb: {  	_ =	swait.ge [sflag:s29], $0x1  }
0xbc: {  	[sflag:s29] =	ssyncadd.s32 $0xFFFFFFFF  }
0xbd: {  	_ =	strace $0x90000048  }
0xbe: {  	_ =	sfence  }
0xbf: {  	s30 =	sld [smem:$0x0];
	_ =	sdelay $0x2  }
0xc0: {  	s31 =	sshll.u32 s1, $0xD;
	s1 =	sshrl.u32 s1, $0x2  }
0xc1: {  	s3 =	sand.u32 $0x4000, s31;
	s1 =	sadd.s32 s1, s30  }
0xc2: {  	s0 =	sor.u32 s3, s0;
	s1 =	sshll.u32 s1, $0x11  }
0xc3: {  	s0 =	sor.u32 s1, s0  }
0xc4: {  	s0 =	sadd.s32 $0x8F2B, s0  }
0xc5: {  	[sflag:s0] =	ssyncadd.remote.s32 $0x1  }
0xc6: {  	_ =	sfence.sel $0xFFFF  }
0xc7: {  	[dreg:$0x0] =	wrdreg $0xFFFFFFFF;
	(pc) =	sbr.abs _section_cstart, $3  }
0xc8: {  	[dreg:$0x1] =	wrdreg $0xFFFFFFFF  }
0xc9: {  	_ =	task.clear_ibuf [dreg:s9], $0x2FFFF;
	_ =	strace $0x9FFFFFFF  }
0xca: {  	(tm) =	ssettm $0x7FFFFFFF  }
0xcb: {  	_ =	shalt  }
tec
execute0_lowered:
.L_overlay_start_1:
0x0: {  	(tag) =	ssettag $0x1  }
0x1: {  	s0 =	rddreg [dreg:$0x0]  }
0x2: {  	s1 =	rddreg [dreg:$0x1]  }
0x3: {  	s3 =	rddreg [dreg:$0x2]  }
0x4: {  	s10 =	rddreg [dreg:$0x3];
	s2 =	simm.s32 $0x0;
	s4 =	srdreg.scid  }
0x5: {  	s5 =	stileid.u32;
	s30 =	simm.s32 $0x1;
	s31 =	simm.s32 $0x0  }
0x6: {  	[smem:$0x7FF] =	sst s2;
	s4 =	sand.u32 $0x1, s4;
	s5 =	sshll.u32 s5, $0x1  }
0x7: {  	s6 =	sadd.s32 $0x7600, s0;
	_ =	strace $0x80000047;
	s5 =	sor.u32 s4, s5  }
0x8: {  	[dreg:$0x5] =	wrdreg s6;
	s4 =	ssub.s32 $0x2, s4;
	s11 =	sshll.u32 s5, $0x7  }
0x9: {  	s5 =	sshll.u32 s5, $0x5;
	s26 =	sshrl.u32 s4, $0x1;
	s23 =	sadd.s32 s11, s0  }
0xa: {  	s0 =	sadd.s32 s5, s0;
	s29 =	ssub.s32 s4, s26;
	s6 =	sadd.s32 s1, s11  }
0xb: {  	s8 =	sadd.s32 s3, s11;
	s10 =	sadd.s32 s10, s11;
	s4 =	sadd.s32 $0x6600, s23  }
0xc: {  	s5 =	sadd.s32 $0x3200, s0;
	s7 =	sadd.s32 $0x2E00, s0;
	s9 =	sadd.s32 $0x2A00, s0  }
0xd: {  	s11 =	sadd.s32 $0x2600, s0;
	s12 =	sadd.s32 $0x5600, s23;
	s13 =	sadd.s32 $0x2200, s0  }
0xe: {  	s14 =	sadd.s32 $0x4600, s23;
	s15 =	sadd.s32 $0x1E00, s0;
	s16 =	sadd.s32 $0x3600, s23  }
0xf: {  	s17 =	sadd.s32 $0x1A00, s0;
	s18 =	sadd.s32 $0x8E00, s23;
	s19 =	sadd.s32 $0x8600, s0  }
0x10: {  	s20 =	sadd.s32 $0xA200, s23;
	s21 =	sadd.s32 $0xB200, s23;
	s22 =	sadd.s32 $0xC600, s23  }
0x11: {  	s23 =	sadd.s32 $0xD600, s23;
	s24 =	sadd.s32 $0x8A00, s0;
	s25 =	sadd.s32 $0x9E00, s0  }
0x12: {  	s26 =	sadd.s32 $0xC200, s0;
	s28 =	sadd.s32 $0xE600, s0;
	s29 =	smax.u32 s29, $0x1  }
.LBB2_1:
0x13: {  	s0 =	rddreg [dreg:$0x5]  }
0x14: {  	[tilespmem:s2], [sflag:$0x1] =	stream.linear.gather [hbm4b:s0+s2], $0x7580, $0x38;
	[tilespmem:$0xB180] =	vst v63  }
0x15: {  	_ =	swait.ge [sflag:s30], $0x7580  }
0x16: {  	[sflag:s30] =	ssyncset.done $0x0  }
0x17: {  	s1 =	simm.s32 $0x7580;
	[sflag:s30] =	ssyncadd.s32 $0xFFFF8A80  }
0x18: {  	[tilespmem:s1], [sflag:$0x1] =	stream.linear.gather [hbm4b:s4+s2], $0x400, $0x38;
	[tilespmem:$0xB180] =	vst v63  }
0x19: {  	_ =	swait.ge [sflag:s30], $0x400  }
0x1a: {  	[sflag:s30] =	ssyncset.done $0x0  }
0x1b: {  	s3 =	simm.s32 $0x9180;
	[sflag:s30] =	ssyncadd.s32 $0xFFFFFC00  }
0x1c: {  	[tilespmem:s3], [sflag:$0x1] =	stream.linear.gather [hbm4b:s5+s2], $0x100, $0x38;
	[tilespmem:$0xB180] =	vst v63  }
0x1d: {  	_ =	swait.ge [sflag:s30], $0x100  }
0x1e: {  	[sflag:s30] =	ssyncset.done $0x0  }
0x1f: {  	s1 =	simm.s32 $0x7980;
	[sflag:s30] =	ssyncadd.s32 $0xFFFFFF00  }
0x20: {  	[tilespmem:s1], [sflag:$0x1] =	stream.linear.gather [hbm4b:s6+s2], $0x400, $0x38;
	[tilespmem:$0xB180] =	vst v63  }
0x21: {  	_ =	swait.ge [sflag:s30], $0x400  }
0x22: {  	[sflag:s30] =	ssyncset.done $0x0  }
0x23: {  	s3 =	simm.s32 $0x9280;
	[sflag:s30] =	ssyncadd.s32 $0xFFFFFC00  }
0x24: {  	[tilespmem:s3], [sflag:$0x1] =	stream.linear.gather [hbm4b:s7+s2], $0x100, $0x38;
	[tilespmem:$0xB180] =	vst v63  }
0x25: {  	_ =	swait.ge [sflag:s30], $0x100  }
0x26: {  	[sflag:s30] =	ssyncset.done $0x0  }
0x27: {  	s1 =	simm.s32 $0x7D80;
	[sflag:s30] =	ssyncadd.s32 $0xFFFFFF00  }
0x28: {  	[tilespmem:s1], [sflag:$0x1] =	stream.linear.gather [hbm4b:s8+s2], $0x400, $0x38;
	[tilespmem:$0xB180] =	vst v63  }
0x29: {  	_ =	swait.ge [sflag:s30], $0x400  }
0x2a: {  	[sflag:s30] =	ssyncset.done $0x0  }
0x2b: {  	s3 =	simm.s32 $0x9380;
	[sflag:s30] =	ssyncadd.s32 $0xFFFFFC00  }
0x2c: {  	[tilespmem:s3], [sflag:$0x1] =	stream.linear.gather [hbm4b:s9+s2], $0x100, $0x38;
	[tilespmem:$0xB180] =	vst v63  }
0x2d: {  	_ =	swait.ge [sflag:s30], $0x100  }
0x2e: {  	[sflag:s30] =	ssyncset.done $0x0  }
0x2f: {  	s1 =	simm.s32 $0x8180;
	[sflag:s30] =	ssyncadd.s32 $0xFFFFFF00  }
0x30: {  	[tilespmem:s1], [sflag:$0x1] =	stream.linear.gather [hbm4b:s10+s2], $0x400, $0x38;
	[tilespmem:$0xB180] =	vst v63  }
0x31: {  	_ =	swait.ge [sflag:s30], $0x400  }
0x32: {  	[sflag:s30] =	ssyncset.done $0x0  }
0x33: {  	s3 =	simm.s32 $0x9480;
	[sflag:s30] =	ssyncadd.s32 $0xFFFFFC00  }
0x34: {  	[tilespmem:s3], [sflag:$0x1] =	stream.linear.gather [hbm4b:s11+s2], $0x100, $0x38;
	[tilespmem:$0xB180] =	vst v63  }
0x35: {  	_ =	swait.ge [sflag:s30], $0x100  }
0x36: {  	[sflag:s30] =	ssyncset.done $0x0  }
0x37: {  	s1 =	simm.s32 $0x8580;
	[sflag:s30] =	ssyncadd.s32 $0xFFFFFF00  }
0x38: {  	[tilespmem:s1], [sflag:$0x1] =	stream.linear.gather [hbm4b:s12+s2], $0x400, $0x38;
	[tilespmem:$0xB180] =	vst v63  }
0x39: {  	_ =	swait.ge [sflag:s30], $0x400  }
0x3a: {  	[sflag:s30] =	ssyncset.done $0x0  }
0x3b: {  	s3 =	simm.s32 $0x9580;
	[sflag:s30] =	ssyncadd.s32 $0xFFFFFC00  }
0x3c: {  	[tilespmem:s3], [sflag:$0x1] =	stream.linear.gather [hbm4b:s13+s2], $0x100, $0x38;
	[tilespmem:$0xB180] =	vst v63  }
0x3d: {  	_ =	swait.ge [sflag:s30], $0x100  }
0x3e: {  	[sflag:s30] =	ssyncset.done $0x0  }
0x3f: {  	s1 =	simm.s32 $0x8980;
	[sflag:s30] =	ssyncadd.s32 $0xFFFFFF00  }
0x40: {  	[tilespmem:s1], [sflag:$0x1] =	stream.linear.gather [hbm4b:s14+s2], $0x400, $0x38;
	[tilespmem:$0xB180] =	vst v63  }
0x41: {  	_ =	swait.ge [sflag:s30], $0x400  }
0x42: {  	[sflag:s30] =	ssyncset.done $0x0  }
0x43: {  	s3 =	simm.s32 $0x9680;
	[sflag:s30] =	ssyncadd.s32 $0xFFFFFC00  }
0x44: {  	[tilespmem:s3], [sflag:$0x1] =	stream.linear.gather [hbm4b:s15+s2], $0x100, $0x38;
	[tilespmem:$0xB180] =	vst v63  }
0x45: {  	_ =	swait.ge [sflag:s30], $0x100  }
0x46: {  	[sflag:s30] =	ssyncset.done $0x0  }
0x47: {  	s1 =	simm.s32 $0x8D80;
	[sflag:s30] =	ssyncadd.s32 $0xFFFFFF00  }
0x48: {  	[tilespmem:s1], [sflag:$0x1] =	stream.linear.gather [hbm4b:s16+s2], $0x400, $0x38;
	[tilespmem:$0xB180] =	vst v63  }
0x49: {  	_ =	swait.ge [sflag:s30], $0x400  }
0x4a: {  	[sflag:s30] =	ssyncset.done $0x0  }
0x4b: {  	s3 =	simm.s32 $0x9780;
	[sflag:s30] =	ssyncadd.s32 $0xFFFFFC00  }
0x4c: {  	[tilespmem:s3], [sflag:$0x1] =	stream.linear.gather [hbm4b:s17+s2], $0x100, $0x38;
	[tilespmem:$0xB180] =	vst v63  }
0x4d: {  	_ =	swait.ge [sflag:s30], $0x100  }
0x4e: {  	[sflag:s30] =	ssyncset.done $0x0  }
0x4f: {  	s0 =	simm.s32 $0x0;
	[sflag:s30] =	ssyncadd.s32 $0xFFFFFF00  }
0x50: {  	v0 =	vld [tilespmem:s0+$0x8180]  }
0x51: {  	v1 =	vld [tilespmem:s0+$0x7580]  }
0x52: {  	v2 =	vld [tilespmem:s0+$0x7D80]  }
0x53: {  	v3 =	vld [tilespmem:s0+$0x7980];
	_ =	sdelay $0x1  }
0x54: {  	v0 =	vmul.u32 $0x3, v0  }
0x55: {  	v1 =	vmul.u32 $0x3, v1  }
0x56: {  	v2 =	vmul.u32 $0x3, v2  }
0x57: {  	v3 =	vmul.u32 $0x3, v3;
	_ =	sdelay $0x1  }
0x58: {  	v4 =	vadd.s32 $0x1, v0  }
0x59: {  	v5 =	vadd.s32 $0x1, v1;
	v7 =	vld.idx.msk [tilespmem:v0+s2+$0x0], $0xffff  }
0x5a: {  	v6 =	vadd.s32 $0x1, v2;
	v11 =	vld.idx.msk [tilespmem:v1+s2+$0x0], $0xffff  }
0x5b: {  	v13 =	vld.idx.msk [tilespmem:v2+s2+$0x0], $0xffff  }
0x5c: {  	v1 =	vadd.s32 $0x2, v1;
	v16 =	vld.idx.msk [tilespmem:v3+s2+$0x0], $0xffff  }
0x5d: {  	v9 =	vld.idx.msk [tilespmem:v4+s2+$0x0], $0xffff;
	v4 =	vadd.s32 $0x1, v3  }
0x5e: {  	v10 =	vld.idx.msk [tilespmem:v5+s2+$0x0], $0xffff  }
0x5f: {  	v14 =	vld.idx.msk [tilespmem:v6+s2+$0x0], $0xffff  }
0x60: {  	v5 =	vadd.s32 $0x2, v3;
	v12 =	vadd.f32 v13, v11  }
0x61: {  	v6 =	vadd.s32 $0x2, v2;
	v2 =	vld.idx.msk [tilespmem:v1+s2+$0x0], $0xffff;
	v15 =	vsub.f32 v11, v13;
	v1 =	vsub.f32 v13, v7  }
0x62: {  	v20 =	vadd.f32 v7, v16;
	v23 =	vsub.f32 v11, v16;
	v17 =	vld.idx.msk [tilespmem:v4+s2+$0x0], $0xffff  }
0x63: {  	v0 =	vadd.s32 $0x2, v0;
	v3 =	vsub.f32 v10, v9;
	v4 =	vsub.f32 v11, v7  }
0x64: {  	v18 =	vadd.f32 v14, v10;
	v19 =	vsub.f32 v10, v14  }
0x65: {  	v21 =	vld [tilespmem:s0+$0x8580];
	v8 =	vsub.f32 v14, v9;
	v7 =	vsub.f32 v16, v7  }
0x66: {  	v5 =	vld.idx.msk [tilespmem:v5+s2+$0x0], $0xffff;
	v16 =	vsub.f32 v16, v13;
	v20 =	vadd.f32 v20, v12  }
0x67: {  	v6 =	vld.idx.msk [tilespmem:v6+s2+$0x0], $0xffff;
	v24 =	vmul.f32 v15, v15;
	v19 =	vmul.f32 v19, v19;
	v22 =	vadd.f32 v9, v17  }
0x68: {  	v12 =	vsub.f32 v17, v9;
	v14 =	vsub.f32 v17, v14;
	v9 =	vld.idx.msk [tilespmem:v0+s2+$0x0], $0xffff;
	v0 =	vmul.f32 $2.500000000e-01, v20  }
0x69: {  	v11 =	vmul.f32 v7, v7;
	v16 =	vmul.f32 v16, v16  }
0x6a: {  	v7 =	vadd.f32 v19, v24;
	v20 =	vadd.f32 v21, v0;
	v21 =	vmul.f32 v14, v14  }
0x6b: {  	v15 =	vmul.f32 v23, v23;
	v25 =	vsub.f32 v2, v5;
	v10 =	vsub.f32 v10, v17  }
0x6c: {  	v4 =	vmul.f32 v4, v4;
	v19 =	vsub.f32 v5, v6;
	v21 =	vadd.f32 v21, v16;
	v16 =	vld [tilespmem:s0+$0x8980]  }
0x6d: {  	v13 =	vmul.f32 v25, v25;
	v22 =	vadd.f32 v22, v18;
	v17 =	vmul.f32 v10, v10  }
0x6e: {  	v18 =	vmul.f32 v19, v19;
	v14 =	vsub.f32 v2, v6;
	v10 =	vmul.f32 $5.000000000e-01, v20  }
0x6f: {  	s1 =	simm.s32 $0x40;
	v0 =	vld [tilespmem:s0+$0x8D80];
	v19 =	vmul.f32 $2.500000000e-01, v22;
	v20 =	vadd.f32 v6, v2;
	v22 =	vadd.f32 v9, v5  }
.LBB2_2:
0x70: {  	p0 =	sne.s32 s1, $0xFC0;
	v15 =	vadd.f32 v17, v15;
	v17 =	vadd.f32 v18, v21;
	v12 =	vmul.f32 v12, v12;
	s3 =	smov.u32 s1;
	s1 =	sadd.s32 $0x40, s1  }
0x71: {  	v8 =	vmul.f32 v8, v8;
	v16 =	vadd.f32 v16, v19;
	v18 =	vadd.f32 v22, v20  }
0x72: {  	v19 =	vmul.f32 v10, v10;
	v13 =	vadd.f32 v13, v15;
	v11 =	vadd.f32 v12, v11  }
0x73: {  	v5 =	vsub.f32 v5, v9;
	v12 =	vmul.f32 $5.000000000e-01, v16;
	v15 =	vmul.f32 $2.500000000e-01, v18  }
0x74: {  	v2 =	vsub.f32 v2, v9;
	v3 =	vmul.f32 v3, v3;
	v6 =	vsub.f32 v6, v9  }
0x75: {  	v14 =	vmul.f32 v14, v14;
	v0 =	vadd.f32 v0, v15;
	v9 =	vmul.f32 v12, v12;
	[tilespmem:s0+$0x9C80] =	vst v12  }
0x76: {  	s3 =	sshra.s32 s3, $0x2;
	v3 =	vadd.f32 v3, v4;
	v2 =	vmul.f32 v2, v2;
	v4 =	vmul.f32 v6, v6  }
0x77: {  	v1 =	vmul.f32 v1, v1;
	v7 =	vadd.f32 v14, v7;
	v6 =	vld [tilespmem:s3+$0x8180];
	v0 =	vmul.f32 $5.000000000e-01, v0;
	[tilespmem:s0+$0x9880] =	vst v10  }
0x78: {  	v2 =	vadd.f32 v2, v3;
	v3 =	vmul.f32 v5, v5;
	v10 =	vld [tilespmem:s3+$0x7580]  }
0x79: {  	v1 =	vadd.f32 v8, v1;
	v7 =	vmin.f32 v13, v7;
	v5 =	vld [tilespmem:s3+$0x7980];
	v12 =	vmul.f32 v0, v0;
	[tilespmem:s0+$0xA080] =	vst v0  }
0x7a: {  	v2 =	vmin.f32 v7, v2;
	v3 =	vadd.f32 v3, v11;
	v8 =	vld [tilespmem:s3+$0x7D80]  }
0x7b: {  	v1 =	vadd.f32 v4, v1;
	v2 =	vmin.f32 v2, v17;
	v0 =	vld [tilespmem:s3+$0x8D80];
	v7 =	vadd.f32 v12, v19  }
0x7c: {  	v2 =	vmin.f32 v2, v3;
	v4 =	vmul.u32 $0x3, v6  }
0x7d: {  	v1 =	vmin.f32 v2, v1;
	v3 =	vmul.u32 $0x3, v10;
	v6 =	vadd.f32 v7, v9  }
0x7e: {  	v5 =	vmul.u32 $0x3, v5;
	v2 =	vadd.s32 $0x1, v4;
	v7 =	vadd.s32 $0x2, v4;
	[tilespmem:s0+$0xA880] =	vst v1  }
0x7f: {  	v1 =	vmul.u32 $0x3, v8;
	v8 =	vadd.s32 $0x1, v3;
	v9 =	vadd.s32 $0x2, v3;
	[tilespmem:s0+$0xA480] =	vst v6;
	s0 =	smov.u32 s3  }
0x80: {  	v6 =	vadd.s32 $0x1, v5;
	v10 =	vadd.s32 $0x2, v5  }
0x81: {  	s3 =	simm.s32 $0x0;
	v11 =	vadd.s32 $0x1, v1;
	v12 =	vadd.s32 $0x2, v1  }
0x82: {  	v13 =	vld.idx.msk [tilespmem:v4+s3+$0x0], $0xffff  }
0x83: {  	v14 =	vld.idx.msk [tilespmem:v2+s3+$0x0], $0xffff  }
0x84: {  	v16 =	vld.idx.msk [tilespmem:v8+s3+$0x0], $0xffff  }
0x85: {  	v15 =	vld.idx.msk [tilespmem:v3+s3+$0x0], $0xffff  }
0x86: {  	v17 =	vld.idx.msk [tilespmem:v1+s3+$0x0], $0xffff  }
0x87: {  	v18 =	vld.idx.msk [tilespmem:v11+s3+$0x0], $0xffff  }
0x88: {  	v2 =	vld.idx.msk [tilespmem:v9+s3+$0x0], $0xffff  }
0x89: {  	v19 =	vld.idx.msk [tilespmem:v5+s3+$0x0], $0xffff  }
0x8a: {  	v3 =	vsub.f32 v16, v14;
	v20 =	vld.idx.msk [tilespmem:v6+s3+$0x0], $0xffff  }
0x8b: {  	v1 =	vsub.f32 v15, v13;
	v5 =	vld.idx.msk [tilespmem:v10+s3+$0x0], $0xffff  }
0x8c: {  	v9 =	vadd.f32 v17, v15;
	v10 =	vsub.f32 v15, v17;
	v6 =	vld.idx.msk [tilespmem:v12+s3+$0x0], $0xffff  }
0x8d: {  	v21 =	vadd.f32 v18, v16;
	v11 =	vsub.f32 v16, v18;
	v4 =	vmul.f32 v1, v1  }
0x8e: {  	v1 =	vsub.f32 v17, v13;
	v8 =	vsub.f32 v18, v14  }
0x8f: {  	v12 =	vadd.f32 v13, v19;
	v22 =	vmul.f32 v11, v11;
	v11 =	vsub.f32 v19, v13  }
0x90: {  	v10 =	vmul.f32 v10, v10;
	v13 =	vsub.f32 v15, v19;
	v24 =	vadd.f32 v14, v20;
	v23 =	vld [tilespmem:s0+$0x8580]  }
0x91: {  	v25 =	vadd.f32 v12, v9;
	v12 =	vsub.f32 v20, v14;
	v11 =	vmul.f32 v11, v11  }
0x92: {  	v18 =	vsub.f32 v20, v18;
	v14 =	vsub.f32 v2, v5;
	v15 =	vmul.f32 v13, v13;
	v9 =	vld.idx.msk [tilespmem:v7+s3+$0x0], $0xffff  }
0x93: {  	v25 =	vmul.f32 $2.500000000e-01, v25;
	v7 =	vadd.f32 v22, v10;
	v10 =	vsub.f32 v19, v17  }
.Ltmp0:
0x94: {  	v17 =	vsub.f32 v16, v20;
	v13 =	vmul.f32 v14, v14;
	v14 =	vsub.f32 v5, v6;
	(pc) =	sbr.rel @p0 .LBB2_2-.Ltmp0, $4  }
0x95: {  	v22 =	vmul.f32 v18, v18;
	v20 =	vmul.f32 v10, v10;
	v19 =	vadd.f32 v23, v25;
	v16 =	vld [tilespmem:s0+$0x8980]  }
0x96: {  	v17 =	vmul.f32 v17, v17;
	v18 =	vmul.f32 v14, v14;
	v23 =	vadd.f32 v24, v21  }
0x97: {  	v14 =	vsub.f32 v2, v6;
	v21 =	vadd.f32 v22, v20;
	v10 =	vmul.f32 $5.000000000e-01, v19  }
0x98: {  	v20 =	vadd.f32 v6, v2;
	v19 =	vmul.f32 $2.500000000e-01, v23;
	v22 =	vadd.f32 v9, v5  }
0x99: {  	v15 =	vadd.f32 v17, v15  }
0x9a: {  	v58 =	vadd.f32 v18, v21;
	v12 =	vmul.f32 v12, v12;
	v59 =	vadd.f32 v22, v20  }
0x9b: {  	v8 =	vmul.f32 v8, v8;
	v60 =	vmul.f32 v10, v10;
	v2 =	vsub.f32 v2, v9  }
0x9c: {  	v3 =	vmul.f32 v3, v3;
	v5 =	vsub.f32 v5, v9;
	v61 =	vmul.f32 $2.500000000e-01, v59  }
0x9d: {  	v63 =	vmul.f32 v14, v14;
	v6 =	vsub.f32 v6, v9;
	v16 =	vadd.f32 v16, v19  }
0x9e: {  	v1 =	vmul.f32 v1, v1;
	v13 =	vadd.f32 v13, v15;
	v0 =	vadd.f32 v0, v61  }
0x9f: {  	v11 =	vadd.f32 v12, v11;
	v3 =	vadd.f32 v3, v4;
	v2 =	vmul.f32 v2, v2  }
0xa0: {  	v4 =	vadd.f32 v63, v7;
	v6 =	vmul.f32 v6, v6;
	v0 =	vmul.f32 $5.000000000e-01, v0  }
0xa1: {  	v1 =	vadd.f32 v8, v1;
	v2 =	vadd.f32 v2, v3;
	v3 =	vmul.f32 v5, v5  }
0xa2: {  	v62 =	vmul.f32 $5.000000000e-01, v16;
	v4 =	vmin.f32 v13, v4;
	v5 =	vmul.f32 v0, v0  }
0xa3: {  	v1 =	vadd.f32 v6, v1;
	v2 =	vmin.f32 v4, v2;
	v3 =	vadd.f32 v3, v11  }
0xa4: {  	[tilespmem:s0+$0x9880] =	vst v10;
	v7 =	vmul.f32 v62, v62;
	v2 =	vmin.f32 v2, v58;
	v4 =	vadd.f32 v5, v60  }
0xa5: {  	[tilespmem:s0+$0x9C80] =	vst v62;
	v2 =	vmin.f32 v2, v3  }
0xa6: {  	[tilespmem:s0+$0xA080] =	vst v0;
	v1 =	vmin.f32 v2, v1;
	v0 =	vadd.f32 v4, v7  }
0xa7: {  	[tilespmem:s0+$0xA880] =	vst v1  }
0xa8: {  	[tilespmem:s0+$0xA480] =	vst v0;
	s0 =	simm.s32 $0x0  }
0xa9: {  	v0 =	vld [tilespmem:s0+$0x9480];
	_ =	sdelay $0x1  }
0xaa: {  	v1 =	vld [tilespmem:s0+$0x9380]  }
0xab: {  	v2 =	vld [tilespmem:s0+$0x9280];
	_ =	sdelay $0x1  }
0xac: {  	v8 =	vmul.u32 $0x3, v0;
	_ =	sdelay $0x1  }
0xad: {  	v7 =	vmul.u32 $0x3, v1;
	v1 =	vadd.s32 $0x1, v8  }
0xae: {  	v0 =	vld [tilespmem:s0+$0x9180];
	v9 =	vmul.u32 $0x3, v2;
	v3 =	vadd.s32 $0x2, v8  }
0xaf: {  	v4 =	vadd.s32 $0x2, v7  }
0xb0: {  	v6 =	vadd.s32 $0x2, v9;
	_ =	sdelay $0x1  }
0xb1: {  	v1 =	vld.idx.msk [tilespmem:v1+s2+$0x0], $0xffff  }
0xb2: {  	v2 =	vmul.u32 $0x3, v0;
	v0 =	vld.idx.msk [tilespmem:v3+s2+$0x0], $0xffff  }
0xb3: {  	v10 =	vadd.s32 $0x1, v7;
	v3 =	vld.idx.msk [tilespmem:v4+s2+$0x0], $0xffff  }
0xb4: {  	s1 =	simm.s32 $0x40;
	v11 =	vadd.s32 $0x1, v9;
	v5 =	vadd.s32 $0x1, v2;
	v4 =	vadd.s32 $0x2, v2;
	v6 =	vld.idx.msk [tilespmem:v6+s2+$0x0], $0xffff  }
.LBB2_4:
0xb5: {  	p0 =	sne.s32 s1, $0x3C0;
	v8 =	vld.idx.msk [tilespmem:v8+s2+$0x0], $0xffff;
	s3 =	smov.u32 s1;
	s1 =	sadd.s32 $0x40, s1  }
0xb6: {  	v7 =	vld.idx.msk [tilespmem:v7+s2+$0x0], $0xffff  }
0xb7: {  	v9 =	vld.idx.msk [tilespmem:v9+s2+$0x0], $0xffff  }
0xb8: {  	v10 =	vld.idx.msk [tilespmem:v10+s2+$0x0], $0xffff  }
0xb9: {  	v12 =	vsub.f32 v3, v0;
	v11 =	vld.idx.msk [tilespmem:v11+s2+$0x0], $0xffff  }
0xba: {  	v14 =	vsub.f32 v6, v3;
	v13 =	vld.idx.msk [tilespmem:v5+s2+$0x0], $0xffff;
	v5 =	vadd.f32 v0, v6  }
0xbb: {  	s3 =	sshra.s32 s3, $0x2;
	v15 =	vsub.f32 v6, v0;
	v2 =	vld.idx.msk [tilespmem:v2+s2+$0x0], $0xffff  }
0xbc: {  	v16 =	vld.idx.msk [tilespmem:v4+s2+$0x0], $0xffff;
	v4 =	vsub.f32 v7, v8  }
0xbd: {  	v12 =	vmul.f32 v12, v12;
	v18 =	vsub.f32 v9, v7;
	v19 =	vsub.f32 v9, v8;
	v17 =	vld [tilespmem:s3+$0x9480]  }
0xbe: {  	v14 =	vmul.f32 v14, v14;
	v15 =	vmul.f32 v15, v15;
	v21 =	vsub.f32 v10, v1;
	v20 =	vld [tilespmem:s3+$0x9380]  }
0xbf: {  	v23 =	vadd.f32 v8, v9;
	v24 =	vsub.f32 v11, v1;
	v25 =	vmul.f32 v4, v4;
	v22 =	vld [tilespmem:s3+$0x9280]  }
0xc0: {  	v26 =	vadd.f32 v10, v13;
	v27 =	vsub.f32 v13, v11;
	v21 =	vmul.f32 v21, v21;
	v4 =	vld [tilespmem:s3+$0x9180]  }
0xc1: {  	v28 =	vsub.f32 v13, v10;
	v8 =	vsub.f32 v2, v8;
	v24 =	vmul.f32 v24, v24  }
0xc2: {  	v29 =	vadd.f32 v7, v2;
	v30 =	vadd.f32 v3, v16;
	v27 =	vmul.f32 v27, v27  }
0xc3: {  	v7 =	vsub.f32 v2, v7;
	v6 =	vsub.f32 v16, v6;
	v28 =	vmul.f32 v28, v28;
	v31 =	vld [tilespmem:s0+$0x9780]  }
0xc4: {  	v19 =	vmul.f32 v19, v19;
	v9 =	vsub.f32 v2, v9;
	v5 =	vadd.f32 v5, v30  }
0xc5: {  	v23 =	vadd.f32 v23, v29;
	v6 =	vmul.f32 v6, v6;
	v2 =	vmul.u32 $0x3, v4  }
0xc6: {  	v3 =	vsub.f32 v16, v3;
	v30 =	vadd.f32 v1, v11;
	v32 =	vmul.f32 $2.500000000e-01, v5;
	v29 =	vld [tilespmem:s0+$0x9580]  }
0xc7: {  	v23 =	vmul.f32 $2.500000000e-01, v23;
	v5 =	vadd.s32 $0x1, v2;
	v4 =	vadd.s32 $0x2, v2  }
0xc8: {  	v8 =	vmul.f32 v8, v8;
	v1 =	vsub.f32 v13, v1;
	v33 =	vld [tilespmem:s0+$0x9680];
	v31 =	vadd.f32 v31, v32  }
0xc9: {  	v0 =	vsub.f32 v16, v0;
	v16 =	vmul.f32 v18, v18;
	v13 =	vadd.f32 v30, v26  }
0xca: {  	v10 =	vsub.f32 v11, v10;
	v1 =	vmul.f32 v1, v1;
	v18 =	vmul.f32 $5.000000000e-01, v31  }
0xcb: {  	v7 =	vmul.f32 v7, v7;
	v13 =	vmul.f32 $2.500000000e-01, v13;
	v11 =	vadd.f32 v29, v23  }
0xcc: {  	v1 =	vadd.f32 v1, v8;
	v8 =	vmul.f32 v10, v10;
	v23 =	vmul.f32 v18, v18;
	[tilespmem:s0+$0xAE80] =	vst v18  }
0xcd: {  	v9 =	vmul.f32 v9, v9;
	v0 =	vmul.f32 v0, v0;
	v10 =	vadd.f32 v33, v13  }
0xce: {  	v3 =	vmul.f32 v3, v3;
	v7 =	vadd.f32 v28, v7;
	v11 =	vmul.f32 $5.000000000e-01, v11  }
0xcf: {  	v9 =	vadd.f32 v27, v9;
	v13 =	vadd.f32 v24, v19;
	v10 =	vmul.f32 $5.000000000e-01, v10  }
0xd0: {  	v16 =	vadd.f32 v8, v16;
	v19 =	vadd.f32 v21, v25;
	v18 =	vmul.f32 v11, v11;
	[tilespmem:s0+$0xAC80] =	vst v11  }
0xd1: {  	v6 =	vadd.f32 v6, v9;
	v3 =	vadd.f32 v3, v7;
	v11 =	vmul.f32 v10, v10;
	[tilespmem:s0+$0xAD80] =	vst v10  }
0xd2: {  	v7 =	vmul.u32 $0x3, v20;
	v0 =	vadd.f32 v0, v1;
	v9 =	vadd.f32 v23, v18  }
0xd3: {  	v8 =	vmul.u32 $0x3, v17;
	v1 =	vmin.f32 v6, v3;
	v3 =	vadd.f32 v14, v16  }
0xd4: {  	v0 =	vmin.f32 v1, v0;
	v1 =	vadd.f32 v15, v13;
	v6 =	vadd.f32 v9, v11  }
0xd5: {  	v0 =	vmin.f32 v0, v3;
	v3 =	vadd.f32 v12, v19;
	v10 =	vadd.s32 $0x1, v8  }
0xd6: {  	v0 =	vmin.f32 v0, v1;
	v9 =	vmul.u32 $0x3, v22;
	v11 =	vadd.s32 $0x2, v8;
	[tilespmem:s0+$0xAF80] =	vst v6  }
0xd7: {  	v0 =	vmin.f32 v0, v3;
	v6 =	vadd.s32 $0x2, v7  }
0xd8: {  	v12 =	vadd.s32 $0x2, v9;
	[tilespmem:s0+$0xB080] =	vst v0;
	s0 =	smov.u32 s3  }
.Ltmp1:
0xd9: {  	(pc) =	sbr.rel @p0 .LBB2_4-.Ltmp1, $4  }
0xda: {  	v1 =	vld.idx.msk [tilespmem:v10+s2+$0x0], $0xffff  }
0xdb: {  	v0 =	vld.idx.msk [tilespmem:v11+s2+$0x0], $0xffff  }
0xdc: {  	v10 =	vadd.s32 $0x1, v7;
	v3 =	vld.idx.msk [tilespmem:v6+s2+$0x0], $0xffff  }
0xdd: {  	v11 =	vadd.s32 $0x1, v9;
	v6 =	vld.idx.msk [tilespmem:v12+s2+$0x0], $0xffff  }
0xde: {  	_ =	sdelay $0x3  }
0xdf: {  	v8 =	vld.idx.msk [tilespmem:v8+s2+$0x0], $0xffff  }
0xe0: {  	v7 =	vld.idx.msk [tilespmem:v7+s2+$0x0], $0xffff  }
0xe1: {  	v9 =	vld.idx.msk [tilespmem:v9+s2+$0x0], $0xffff  }
0xe2: {  	v10 =	vld.idx.msk [tilespmem:v10+s2+$0x0], $0xffff  }
0xe3: {  	v11 =	vld.idx.msk [tilespmem:v11+s2+$0x0], $0xffff  }
0xe4: {  	v5 =	vld.idx.msk [tilespmem:v5+s2+$0x0], $0xffff;
	v12 =	vsub.f32 v3, v0;
	v13 =	vadd.f32 v0, v6  }
0xe5: {  	v4 =	vld.idx.msk [tilespmem:v4+s2+$0x0], $0xffff;
	v14 =	vsub.f32 v6, v3;
	v15 =	vsub.f32 v6, v0  }
0xe6: {  	v2 =	vld.idx.msk [tilespmem:v2+s2+$0x0], $0xffff;
	v16 =	vsub.f32 v7, v8;
	v17 =	vsub.f32 v9, v7  }
0xe7: {  	v18 =	vsub.f32 v9, v8;
	v19 =	vsub.f32 v10, v1  }
0xe8: {  	v20 =	vadd.f32 v8, v9;
	v21 =	vsub.f32 v11, v1  }
0xe9: {  	v22 =	vadd.f32 v10, v5;
	v23 =	vsub.f32 v5, v11  }
0xea: {  	v24 =	vadd.f32 v3, v4;
	v25 =	vsub.f32 v5, v10  }
0xeb: {  	v8 =	vsub.f32 v2, v8;
	v27 =	vadd.f32 v7, v2  }
0xec: {  	v12 =	vmul.f32 v12, v12;
	v42 =	vsub.f32 v4, v6;
	v7 =	vsub.f32 v2, v7  }
0xed: {  	v2 =	vsub.f32 v2, v9;
	v46 =	vadd.f32 v1, v11;
	v14 =	vmul.f32 v14, v14  }
0xee: {  	v47 =	vsub.f32 v4, v3;
	v15 =	vmul.f32 v15, v15;
	v16 =	vmul.f32 v16, v16  }
0xef: {  	v49 =	vsub.f32 v5, v1;
	v19 =	vmul.f32 v19, v19;
	v21 =	vmul.f32 v21, v21  }
0xf0: {  	v52 =	vsub.f32 v4, v0;
	v23 =	vmul.f32 v23, v23;
	v43 =	vmul.f32 v25, v25  }
0xf1: {  	v10 =	vsub.f32 v11, v10;
	v18 =	vmul.f32 v18, v18;
	v6 =	vmul.f32 v42, v42  }
0xf2: {  	v26 =	vld [tilespmem:s0+$0x9780];
	v13 =	vadd.f32 v13, v24;
	v50 =	vmul.f32 v8, v8;
	v53 =	vmul.f32 v17, v17  }
0xf3: {  	v45 =	vld [tilespmem:s0+$0x9580];
	v44 =	vadd.f32 v20, v27;
	v1 =	vmul.f32 v49, v49;
	v7 =	vmul.f32 v7, v7  }
0xf4: {  	v48 =	vld [tilespmem:s0+$0x9680];
	v51 =	vadd.f32 v46, v22;
	v55 =	vmul.f32 v10, v10;
	v2 =	vmul.f32 v2, v2  }
0xf5: {  	v13 =	vmul.f32 $2.500000000e-01, v13;
	v1 =	vadd.f32 v1, v50;
	v7 =	vadd.f32 v43, v7  }
0xf6: {  	v9 =	vmul.f32 $2.500000000e-01, v44;
	v2 =	vadd.f32 v23, v2;
	v56 =	vadd.f32 v21, v18  }
0xf7: {  	v8 =	vmul.f32 $2.500000000e-01, v51;
	v4 =	vadd.f32 v55, v53;
	v58 =	vadd.f32 v19, v16  }
0xf8: {  	v3 =	vmul.f32 v47, v47;
	v13 =	vadd.f32 v26, v13;
	v9 =	vadd.f32 v45, v9  }
0xf9: {  	v0 =	vmul.f32 v52, v52;
	v8 =	vadd.f32 v48, v8;
	v2 =	vadd.f32 v6, v2  }
0xfa: {  	v3 =	vadd.f32 v3, v7;
	v13 =	vmul.f32 $5.000000000e-01, v13;
	v9 =	vmul.f32 $5.000000000e-01, v9  }
0xfb: {  	v0 =	vadd.f32 v0, v1;
	v61 =	vadd.f32 v14, v4;
	v8 =	vmul.f32 $5.000000000e-01, v8  }
0xfc: {  	v2 =	vmin.f32 v2, v3;
	v54 =	vmul.f32 v13, v13;
	v57 =	vmul.f32 v9, v9  }
0xfd: {  	v62 =	vadd.f32 v15, v56;
	v63 =	vadd.f32 v12, v58;
	v0 =	vmin.f32 v2, v0  }
0xfe: {  	v59 =	vmul.f32 v8, v8;
	[tilespmem:s0+$0xAE80] =	vst v13;
	v0 =	vmin.f32 v0, v61;
	v60 =	vadd.f32 v54, v57  }
0xff: {  	[tilespmem:s0+$0xAC80] =	vst v9;
	v0 =	vmin.f32 v0, v62  }
0x100: {  	[tilespmem:s0+$0xAD80] =	vst v8;
	v0 =	vmin.f32 v0, v63;
	v1 =	vadd.f32 v60, v59  }
0x101: {  	[tilespmem:s0+$0xB080] =	vst v0  }
0x102: {  	s1 =	simm.s32 $0x9880;
	[tilespmem:s0+$0xAF80] =	vst v1  }
0x103: {  	[hbm4b:s18+s2] =	stream.linear.scatter [tilespmem:s1], [sflag:$0x1], $0x400, $0x38;
	[tilespmem:$0xB180] =	vst v63  }
0x104: {  	_ =	swait.ge [sflag:s30], $0x400  }
0x105: {  	[sflag:s30] =	ssyncset.done $0x0  }
0x106: {  	s3 =	simm.s32 $0xAC80;
	[sflag:s30] =	ssyncadd.s32 $0xFFFFFC00  }
0x107: {  	[hbm4b:s19+s2] =	stream.linear.scatter [tilespmem:s3], [sflag:$0x1], $0x100, $0x38;
	[tilespmem:$0xB180] =	vst v63  }
0x108: {  	_ =	swait.ge [sflag:s30], $0x100  }
0x109: {  	[sflag:s30] =	ssyncset.done $0x0  }
0x10a: {  	s1 =	simm.s32 $0x9C80;
	[sflag:s30] =	ssyncadd.s32 $0xFFFFFF00  }
0x10b: {  	[hbm4b:s20+s2] =	stream.linear.scatter [tilespmem:s1], [sflag:$0x1], $0x400, $0x38;
	[tilespmem:$0xB180] =	vst v63  }
0x10c: {  	_ =	swait.ge [sflag:s30], $0x400  }
0x10d: {  	[sflag:s30] =	ssyncset.done $0x0  }
0x10e: {  	s3 =	simm.s32 $0xAD80;
	[sflag:s30] =	ssyncadd.s32 $0xFFFFFC00  }
0x10f: {  	[hbm4b:s24+s2] =	stream.linear.scatter [tilespmem:s3], [sflag:$0x1], $0x100, $0x38;
	[tilespmem:$0xB180] =	vst v63  }
0x110: {  	_ =	swait.ge [sflag:s30], $0x100  }
0x111: {  	[sflag:s30] =	ssyncset.done $0x0  }
0x112: {  	s1 =	simm.s32 $0xA080;
	[sflag:s30] =	ssyncadd.s32 $0xFFFFFF00  }
0x113: {  	[hbm4b:s21+s2] =	stream.linear.scatter [tilespmem:s1], [sflag:$0x1], $0x400, $0x38;
	[tilespmem:$0xB180] =	vst v63  }
0x114: {  	_ =	swait.ge [sflag:s30], $0x400  }
0x115: {  	[sflag:s30] =	ssyncset.done $0x0  }
0x116: {  	s3 =	simm.s32 $0xAE80;
	[sflag:s30] =	ssyncadd.s32 $0xFFFFFC00  }
0x117: {  	[hbm4b:s25+s2] =	stream.linear.scatter [tilespmem:s3], [sflag:$0x1], $0x100, $0x38;
	[tilespmem:$0xB180] =	vst v63  }
0x118: {  	_ =	swait.ge [sflag:s30], $0x100  }
0x119: {  	[sflag:s30] =	ssyncset.done $0x0  }
0x11a: {  	s1 =	simm.s32 $0xA480;
	[sflag:s30] =	ssyncadd.s32 $0xFFFFFF00  }
0x11b: {  	[hbm4b:s22+s2] =	stream.linear.scatter [tilespmem:s1], [sflag:$0x1], $0x400, $0x38;
	[tilespmem:$0xB180] =	vst v63  }
0x11c: {  	_ =	swait.ge [sflag:s30], $0x400  }
0x11d: {  	[sflag:s30] =	ssyncset.done $0x0  }
0x11e: {  	s3 =	simm.s32 $0xA880;
	[sflag:s30] =	ssyncadd.s32 $0xFFFFFC00  }
0x11f: {  	[hbm4b:s23+s2] =	stream.linear.scatter [tilespmem:s3], [sflag:$0x1], $0x400, $0x38;
	[tilespmem:$0xB180] =	vst v63  }
0x120: {  	_ =	swait.ge [sflag:s30], $0x400  }
0x121: {  	[sflag:s30] =	ssyncset.done $0x0  }
0x122: {  	s1 =	simm.s32 $0xAF80;
	[sflag:s30] =	ssyncadd.s32 $0xFFFFFC00  }
0x123: {  	[hbm4b:s26+s2] =	stream.linear.scatter [tilespmem:s1], [sflag:$0x1], $0x100, $0x38;
	[tilespmem:$0xB180] =	vst v63  }
0x124: {  	s31 =	sadd.s32 $0x1, s31;
	_ =	swait.ge [sflag:s30], $0x100  }
0x125: {  	p0 =	sne.s32 s31, s29;
	[sflag:s30] =	ssyncset.done $0x0  }
.Ltmp2:
0x126: {  	s3 =	simm.s32 $0xB080;
	[sflag:s30] =	ssyncadd.s32 $0xFFFFFF00;
	(pc) =	sbr.rel @p0 .LBB2_1-.Ltmp2, $4  }
0x127: {  	[hbm4b:s28+s2] =	stream.linear.scatter [tilespmem:s3], [sflag:$0x1], $0x100, $0x38;
	[tilespmem:$0xB180] =	vst v63  }
0x128: {  	_ =	swait.ge [sflag:s30], $0x100  }
0x129: {  	[sflag:s30] =	ssyncset.done $0x0  }
0x12a: {  	[sflag:s30] =	ssyncadd.s32 $0xFFFFFF00  }
0x12b: {  	_ =	sfence.sel $0x180000  }
0x12c: {  	[bflag:$0x0] =	sbarrier.arrive $0xFFFF  }
0x12d: {  	_ =	strace $0x90000047  }
0x12e: {  	s0 =	stileid.u32;
	[bflag:$0x2] =	sbarrier.arrive $0xFFFF  }
0x12f: {  	p0 =	sne.s32 s0, $0x0;
	s0 =	rddreg [dreg:$0x4]  }
0x130: {  	s0 =	sadd.s32 @!p0 $0x100000, s0  }
0x131: {  	[sflag:s0] =	ssyncadd.tile.s32 @!p0 $0x1;
	_ =	shalt  }
.Lfunc_end2:
_tile_overlayer_lowered:
.L_overlay_start_2:
0x132: {  	(tag) =	ssettag $0x2  }
0x133: {  	s0 =	rddreg [dreg:$0x0];
	s2 =	stileid.u32  }
0x134: {  	s1 =	rddreg [dreg:$0x1];
	p0 =	sne.s32 s2, $0x0  }
0x135: {  	s3 =	rddreg [dreg:$0x2];
	[bflag:$0x3] =	sbarrier.arrive $0xFFFF;
	s2 =	simm.s32 @!p0 $0x1C01  }
0x136: {  	[timem:s3], [sflag:s2] =	dma.local @!p0 [hbm:s0], s1  }
0x137: {  	s0 =	simm.s32 @!p0 $0x1  }
0x138: {  	_ =	swait.ge @!p0 [sflag:s0], s1  }
0x139: {  	s1 =	ssub.s32 @!p0 $0x0, s1;
	[sflag:s0] =	ssyncset.done @!p0 $0x0  }
0x13a: {  	[sflag:s0] =	ssyncadd.s32 @!p0 s1  }
0x13b: {  	[bflag:$0x3] =	sbarrier.arrive $0xFFFF  }
0x13c: {  	_ =	shalt  }

// kernel: kernel.8.cloned.1.call-start
scs
__scs_entry_jumppad:
0x0: {  	(pc) =	sbr.rel $0x88, $3  }
0x1: {  	(tag) =	ssettag $0x0;
	lr =	simm.s32 $0x1  }
0x2: {  	[smem:$0x3F9C] =	sst lr;
	_ =	strace $0xD0000000  }
0x3: {  	_ = 	snop  }
0x4: {  	_ = 	snop  }
0x5: {  	_ = 	snop  }
0x6: {  	_ = 	snop  }
0x7: {  	_ = 	snop  }
__scs_overlays_trampoline_lowered:
0x8: {  	[smem:$0x3FAB] =	sst s0  }
0x9: {  	[smem:$0x3FAC] =	sst s1  }
0xa: {  	[smem:$0x3FAD] =	sst s2  }
0xb: {  	[smem:$0x3FAE] =	sst s3  }
0xc: {  	[smem:$0x3FAF] =	sst s4  }
0xd: {  	[smem:$0x3FB0] =	sst s5  }
0xe: {  	[smem:$0x3FB1] =	sst s6  }
0xf: {  	[smem:$0x3FB2] =	sst s7  }
0x10: {  	[smem:$0x3FB3] =	sst s8  }
0x11: {  	[smem:$0x3FB4] =	sst s9;
	s0 =	simm.s32 @!p0 $0x0  }
0x12: {  	s1 =	sld [smem:$0x3F9A];
	s0 =	simm.s32 @p0 $0x1  }
0x13: {  	[smem:$0x3FB5] =	sst s0;
	s0 =	simm.s32 @!p1 $0x0  }
0x14: {  	s2 =	sld [smem:$0x3F99];
	s0 =	simm.s32 @p1 $0x1  }
0x15: {  	[smem:$0x3FB6] =	sst s0;
	s0 =	simm.s32 @!p2 $0x0  }
0x16: {  	s3 =	sld [smem:$0x3FDB];
	s0 =	simm.s32 @p2 $0x1  }
0x17: {  	s4 =	simm.s32 $0x1BF5;
	[smem:$0x3FB8] =	sst s0  }
0x18: {  	s0 =	sld [smem:$0x3F9B];
	_ =	swait.ge [sflag:s4], $0x0  }
0x19: {  	s7 =	sld [smem:$0x3F9C]  }
0x1a: {  	s8 =	sadd.s32 $0xFFFFE003, lr  }
0x1b: {  	s9 =	sadd.s32 $0xFFFFFEF7, lr;
	s5 =	simm.s32 $0xFFFFFFFF;
	p2 =	slt.u32 s8, $0xFFFFF086  }
0x1c: {  	p1 =	slt.u32 s9, $0xF7A;
	s5 =	simm.s32 @!p2 $0x0  }
0x1d: {  	s5 =	simm.s32 @p1 $0x1;
	p0 =	seq.s32 s7, s2  }
0x1e: {  	s7 =	smul.u32 @!p0 $0xF7A, s2;
	p2 =	seq.s32 @!p0 s5, $0x0  }
0x1f: {  	s9 =	smul.u32 $0xF7A, s1;
	s8 =	simm.s32 @!p0 $0x1BF5;
	p2 =	por !p2, p0  }
0x20: {  	[sflag:s8] =	ssyncset.s32 @!p0 $0xFFFFF086;
	s6 =	sadd.s32 @!p0 s3, s7;
	s7 =	simm.s32 @!p0 $0x108  }
0x21: {  	s3 =	sadd.s32 s3, s9;
	s6 =	sadd.s32 @!p0 $0x88, s6;
	s7 =	simm.s32 @p2 $0x1082  }
0x22: {  	[simem:s7], [sflag:s8] =	dma.local @!p0 [hbm:s6], $0xF7A  }
0x23: {  	s9 =	sor.u32 $0xD0000000, s2;
	s6 =	simm.s32 $0x108;
	_ =	swait.ge @!p0 [sflag:s8], $0x0  }
0x24: {  	s3 =	sadd.s32 $0x88, s3;
	s6 =	simm.s32 @!p1 $0x1082;
	[sflag:s4] =	ssyncset.s32 $0xFFFFF086  }
0x25: {  	[simem:s6], [sflag:s4] =	dma.local [hbm:s3], $0xF7A  }
0x26: {  	[smem:$0x3F9C] =	sst s1;
	(tag) =	ssettag s2;
	_ =	strace s9  }
0x27: {  	s1 =	sld [smem:$0x3FAC]  }
0x28: {  	s2 =	sld [smem:$0x3FAD]  }
0x29: {  	s4 =	sld [smem:$0x3FAF]  }
0x2a: {  	p0 =	seq.s32 s5, $0x0;
	s5 =	sld [smem:$0x3FB0]  }
0x2b: {  	s6 =	sld [smem:$0x3FB1]  }
0x2c: {  	s7 =	sld [smem:$0x3FB2]  }
0x2d: {  	s3 =	simm.s32 $0x108;
	s8 =	sld [smem:$0x3FB3]  }
0x2e: {  	s3 =	simm.s32 @!p0 $0x1082;
	s9 =	sld [smem:$0x3FB4]  }
0x2f: {  	lr =	sadd.s32 s0, s3;
	s0 =	sld [smem:$0x3FAB]  }
0x30: {  	s3 =	sld [smem:$0x3FAE]  }
0x31: {  	[smem:$0x3FB7] =	sst s10  }
0x32: {  	s10 =	sld [smem:$0x3FB5];
	_ =	sdelay $0x3  }
0x33: {  	p0 =	seq.s32 s10, $0x1;
	s10 =	sld [smem:$0x3FB7];
	_ =	sdelay $0x3  }
0x34: {  	[smem:$0x3FB7] =	sst s10  }
0x35: {  	s10 =	sld [smem:$0x3FB6];
	_ =	sdelay $0x3  }
0x36: {  	p1 =	seq.s32 s10, $0x1;
	s10 =	sld [smem:$0x3FB7];
	_ =	sdelay $0x3  }
0x37: {  	[smem:$0x3FB7] =	sst s10  }
0x38: {  	s10 =	sld [smem:$0x3FB8]  }
0x39: {  	_ = 	snop;
	(pc) =	sbr.ind lr, $3  }
0x3a: {  	_ = 	snop  }
0x3b: {  	_ = 	snop  }
0x3c: {  	p2 =	seq.s32 s10, $0x1;
	s10 =	sld [smem:$0x3FB7]  }
0x3d: {  	_ =	shalt  }
0x3e: {  	_ =	shalt  }
0x3f: {  	_ =	shalt  }
0x40: {  	_ =	shalt  }
0x41: {  	_ =	shalt  }
0x42: {  	_ =	shalt  }
0x43: {  	_ =	shalt  }
0x44: {  	_ =	shalt  }
0x45: {  	_ =	shalt  }
0x46: {  	_ =	shalt  }
0x47: {  	_ =	shalt  }
0x48: {  	_ =	shalt  }
0x49: {  	_ =	shalt  }
0x4a: {  	_ =	shalt  }
0x4b: {  	_ =	shalt  }
0x4c: {  	_ =	shalt  }
0x4d: {  	_ =	shalt  }
0x4e: {  	_ =	shalt  }
0x4f: {  	_ =	shalt  }
0x50: {  	_ =	shalt  }
0x51: {  	_ =	shalt  }
0x52: {  	_ =	shalt  }
0x53: {  	_ =	shalt  }
0x54: {  	_ =	shalt  }
0x55: {  	_ =	shalt  }
0x56: {  	_ =	shalt  }
0x57: {  	_ =	shalt  }
0x58: {  	_ =	shalt  }
0x59: {  	_ =	shalt  }
0x5a: {  	_ =	shalt  }
0x5b: {  	_ =	shalt  }
0x5c: {  	_ =	shalt  }
0x5d: {  	_ =	shalt  }
0x5e: {  	_ =	shalt  }
0x5f: {  	_ =	shalt  }
0x60: {  	_ =	shalt  }
0x61: {  	_ =	shalt  }
0x62: {  	_ =	shalt  }
0x63: {  	_ =	shalt  }
0x64: {  	_ =	shalt  }
0x65: {  	_ =	shalt  }
0x66: {  	_ =	shalt  }
0x67: {  	_ =	shalt  }
0x68: {  	_ =	shalt  }
0x69: {  	_ =	shalt  }
0x6a: {  	_ =	shalt  }
0x6b: {  	_ =	shalt  }
0x6c: {  	_ =	shalt  }
0x6d: {  	_ =	shalt  }
0x6e: {  	_ =	shalt  }
0x6f: {  	_ =	shalt  }
0x70: {  	_ =	shalt  }
0x71: {  	_ =	shalt  }
0x72: {  	_ =	shalt  }
0x73: {  	_ =	shalt  }
0x74: {  	_ =	shalt  }
0x75: {  	_ =	shalt  }
0x76: {  	_ =	shalt  }
0x77: {  	_ =	shalt  }
0x78: {  	_ =	shalt  }
0x79: {  	_ =	shalt  }
0x7a: {  	_ =	shalt  }
0x7b: {  	_ =	shalt  }
0x7c: {  	_ =	shalt  }
0x7d: {  	_ =	shalt  }
0x7e: {  	_ =	shalt  }
0x7f: {  	_ =	shalt  }
0x80: {  	_ =	shalt  }
0x81: {  	_ =	shalt  }
0x82: {  	_ =	shalt  }
0x83: {  	_ =	shalt  }
0x84: {  	_ =	shalt  }
0x85: {  	_ =	shalt  }
0x86: {  	_ =	shalt  }
0x87: {  	_ =	shalt  }
.Lfunc_end0:
.L_simem_size_0:
called_computation.1_lowered:
.L_overlay_start_0:
0x88: {  	s2 =	sld [smem:$0x3FD9]  }
0x89: {  	s3 =	sld [smem:$0x3FFE];
	_ =	sdelay $0x1  }
0x8a: {  	s1 =	srdreg.scid  }
0x8b: {  	s0 =	sand.u32 $0x1, s1  }
0x8c: {  	s14 =	sshll.u32 s0, $0xA;
	s2 =	sadd.s32 s3, s2  }
0x8d: {  	s2 =	sadd.s32 s2, s14  }
0x8e: {  	[smem:$0x3FC3] =	sst s2  }
0x8f: {  	_ = 	snop  }
0x90: {  	s2 =	sld [smem:$0x3FD0];
	_ =	sdelay $0x2  }
0x91: {  	s15 =	simm.s32 $0xA;
	s4 =	simm.s32 $0x10  }
0x92: {  	[smem:s4], [sflag:s15] =	dma.local [hbm:s2], $0x1  }
0x93: {  	_ =	swait.eq [sflag:s15], $0x1  }
0x94: {  	[sflag:s15] =	ssyncset.done $0x0  }
0x95: {  	[sflag:s15] =	ssyncadd.s32 $0xFFFFFFFF  }
0x96: {  	s16 =	sld [smem:$0x12];
	(tm) =	ssettm $0x1  }
0x97: {  	s17 =	sld [smem:$0x3FFB];
	_ =	sdelay $0x3  }
0x98: {  	_ =	strace s17  }
0x99: {  	s3 =	sld [smem:$0x3FFC];
	_ =	sdelay $0x3  }
0x9a: {  	_ =	strace s3  }
0x9b: {  	s3 =	sld [smem:$0x3FFD];
	_ =	sdelay $0x3  }
0x9c: {  	_ =	strace s3  }
0x9d: {  	_ =	strace $0x8FFFFFFF  }
0x9e: {  	s18 =	sld [smem:$0x3FDB];
	_ =	sdelay $0x1  }
0x9f: {  	s19 =	simm.s32 $_scs_section_size  }
0xa0: {  	s5 =	simm.s32 $_size__tile_overlayer_lowered;
	s6 =	simm.s32 $_tile_overlayer_lowered  }
0xa1: {  	s22 =	simm.s32 $0x1BFF;
	s21 =	sshll.u32 s6, $0x1;
	s3 =	sadd.s32 s19, s18  }
0xa2: {  	s7 =	simm.s32 $0x0;
	s20 =	sshll.u32 s5, $0x1;
	s5 =	sadd.s32 s21, s3  }
0xa3: {  	[timem:s7], [sflag:s22] =	dma.local [hbm:s5], s20  }
0xa4: {  	_ =	swait.ge [sflag:s22], s20  }
0xa5: {  	s4 =	ssub.s32 $0x0, s20;
	[sflag:s22] =	ssyncset.done $0x0  }
0xa6: {  	[sflag:s22] =	ssyncadd.s32 s4;
	_ =	sdelay $0x1  }
0xa7: {  	s23 =	simm.s32 $0x1B8B  }
0xa8: {  	_ =	swait.ge [sflag:s23], $0x1  }
0xa9: {  	[sflag:s23] =	ssyncset.done $0x0  }
0xaa: {  	s25 =	simm.s32 $0x1B8E;
	s24 =	sld [smem:$0x3FFE];
	[sflag:s23] =	ssyncadd.s32 $0xFFFFFFFF  }
0xab: {  	s26 =	simm.s32 $execute0_lowered;
	[smem:$0x3FD2] =	sst s25  }
0xac: {  	s5 =	sshll.u32 s26, $0x1;
	_ =	strace $0x80000049;
	[dreg:$0x1] =	wrdreg $0xFFFFFFFF  }
0xad: {  	s28 =	simm.s32 $_size_execute0_lowered;
	s3 =	sadd.s32 s3, s5;
	[dreg:$0x0] =	wrdreg $0x0  }
0xae: {  	s5 =	sshll.u32 s28, $0x1;
	[dreg:$0x2] =	wrdreg s3  }
0xaf: {  	[dreg:$0x3] =	wrdreg s5  }
0xb0: {  	[dreg:$0x4] =	wrdreg $0xC0  }
0xb1: {  	_ =	task [dreg:s7], $0x5FFFF  }
0xb2: {  	[dreg:$0x1] =	wrdreg $0xFFFFFFFF  }
0xb3: {  	[dreg:$0x0] =	wrdreg $0x60  }
0xb4: {  	[dreg:$0x2] =	wrdreg s24  }
0xb5: {  	[dreg:$0x3] =	wrdreg s16  }
0xb6: {  	[dreg:$0x4] =	wrdreg $0x9  }
0xb7: {  	_ =	task.clear_ibuf [dreg:s7], $0x5FFFF;
	_ =	strace $0x90000049  }
0xb8: {  	s29 =	simm.s32 $0x9;
	_ =	strace $0x8000004B  }
0xb9: {  	_ =	swait.ge [sflag:s29], $0x1  }
0xba: {  	[sflag:s29] =	ssyncadd.s32 $0xFFFFFFFF  }
0xbb: {  	_ =	strace $0x9000004B  }
0xbc: {  	_ =	sfence  }
0xbd: {  	s30 =	sld [smem:$0x0];
	_ =	sdelay $0x2  }
0xbe: {  	s31 =	sshll.u32 s1, $0xD;
	s1 =	sshrl.u32 s1, $0x2  }
0xbf: {  	s3 =	sand.u32 $0x4000, s31;
	s1 =	sadd.s32 s1, s30  }
0xc0: {  	s0 =	sor.u32 s3, s0;
	s1 =	sshll.u32 s1, $0x11  }
0xc1: {  	s0 =	sor.u32 s1, s0  }
0xc2: {  	s0 =	sadd.s32 $0x8F2B, s0  }
0xc3: {  	[sflag:s0] =	ssyncadd.remote.s32 $0x1  }
0xc4: {  	_ =	sfence.sel $0xFFFF  }
0xc5: {  	[dreg:$0x0] =	wrdreg $0xFFFFFFFF;
	(pc) =	sbr.abs _section_cstart, $3  }
0xc6: {  	[dreg:$0x1] =	wrdreg $0xFFFFFFFF  }
0xc7: {  	_ =	task.clear_ibuf [dreg:s7], $0x2FFFF;
	_ =	strace $0x9FFFFFFF  }
0xc8: {  	(tm) =	ssettm $0x7FFFFFFF  }
0xc9: {  	_ =	shalt  }
tec
execute0_lowered:
.L_overlay_start_1:
0x0: {  	(tag) =	ssettag $0x1  }
0x1: {  	s4 =	rddreg [dreg:$0x0];
	s1 =	srdreg.scid  }
0x2: {  	s0 =	stileid.u32;
	s5 =	rddreg [dreg:$0x1];
	s2 =	simm.s32 $0x0  }
0x3: {  	s10 =	simm.s32 $0x8500;
	s11 =	simm.s32 $0x8A00;
	s12 =	simm.s32 $0x0  }
0x4: {  	s3 =	sand.u32 $0x1, s1;
	s6 =	sshll.u32 s0, $0x1;
	s1 =	rddreg [dreg:$0x2]  }
0x5: {  	[smem:$0x7FF] =	sst s2;
	s6 =	sor.u32 s3, s6;
	s7 =	ssub.s32 $0x2, s3  }
0x6: {  	_ =	strace $0x8000004A;
	s6 =	smul.u32 $0xA0, s6;
	s8 =	sshrl.u32 s7, $0x1  }
0x7: {  	s3 =	sadd.s32 $0x1A00, s4;
	s7 =	ssub.s32 s7, s8;
	s8 =	simm.s32 $0x1  }
0x8: {  	s9 =	sadd.s32 s6, s4;
	s4 =	sadd.s32 s5, s6;
	s7 =	smax.u32 s7, $0x1  }
0x9: {  	s5 =	sadd.s32 $0x2A00, s9;
	s6 =	sadd.s32 $0x3E00, s9;
	s9 =	simm.s32 $0x8000  }
.LBB2_1:
0xa: {  	[tilespmem:s2], [sflag:$0x1] =	stream.linear.gather [hbm4b:s3+s2], $0x8000, $0x38;
	[tilespmem:$0x8F00] =	vst v63  }
0xb: {  	_ =	swait.ge [sflag:s8], $0x8000  }
0xc: {  	[sflag:s8] =	ssyncset.done $0x0  }
0xd: {  	[sflag:s8] =	ssyncadd.s32 $0xFFFF8000  }
0xe: {  	[tilespmem:s9], [sflag:$0x1] =	stream.linear.gather [hbm4b:s4+s2], $0x500, $0x38;
	[tilespmem:$0x8F00] =	vst v63  }
0xf: {  	_ =	swait.ge [sflag:s8], $0x500  }
0x10: {  	[sflag:s8] =	ssyncset.done $0x0  }
0x11: {  	[sflag:s8] =	ssyncadd.s32 $0xFFFFFB00  }
0x12: {  	[tilespmem:s10], [sflag:$0x1] =	stream.linear.gather [hbm4b:s5+s2], $0x500, $0x38;
	[tilespmem:$0x8F00] =	vst v63  }
0x13: {  	_ =	swait.ge [sflag:s8], $0x500  }
0x14: {  	[sflag:s8] =	ssyncset.done $0x0  }
0x15: {  	s13 =	simm.s32 $0x0;
	[sflag:s8] =	ssyncadd.s32 $0xFFFFFB00  }
0x16: {  	v0 =	vld [tilespmem:s13+$0x8000];
	_ =	sdelay $0x7  }
0x17: {  	v0 =	vld.idx.msk [tilespmem:v0+s2+$0x0], $0xffff;
	_ =	sdelay $0x4  }
0x18: {  	v0 =	vadd.f32 $9.999999930e-09, v0;
	_ =	sdelay $0x1  }
0x19: {  	(erf) = vrcp.f32 v0;
	_ =	sdelay $0x3  }
0x1a: {  	s15 =	simm.s32 $0x10;
	s14 =	simm.s32 $0x80;
	v0 =	vld [tilespmem:s13+$0x8500]  }
.LBB2_2:
0x1b: {  	p0 =	sne.s32 s14, $0x13C0;
	v1 =	vld [tilespmem:s15+$0x8000];
	_ =	sdelay $0x3  }
0x1c: {  	v2 =	vpop (erf)  }
0x1d: {  	v0 =	vmul.f32 v2, v0;
	_ =	sdelay $0x1  }
0x1e: {  	[tilespmem:s13+$0x8A00] =	vst v0;
	s13 =	smov.u32 s15  }
0x1f: {  	v0 =	vld.idx.msk [tilespmem:v1+s2+$0x0], $0xffff;
	_ =	sdelay $0x5  }
0x20: {  	v0 =	vadd.f32 $9.999999930e-09, v0;
	_ =	sdelay $0x1  }
.Ltmp0:
0x21: {  	(erf) = vrcp.f32 v0;
	(pc) =	sbr.rel @p0 .LBB2_2-.Ltmp0, $2  }
0x22: {  	_ =	sdelay $0x2  }
0x23: {  	s15 =	sshra.s32 s14, $0x2;
	s14 =	sadd.s32 $0x40, s14;
	v0 =	vld [tilespmem:s13+$0x8500]  }
0x24: {  	v1 =	vld [tilespmem:s15+$0x8000];
	_ =	sdelay $0x3  }
0x25: {  	v2 =	vpop (erf)  }
0x26: {  	v0 =	vmul.f32 v2, v0;
	_ =	sdelay $0x1  }
0x27: {  	[tilespmem:s13+$0x8A00] =	vst v0  }
0x28: {  	v0 =	vld.idx.msk [tilespmem:v1+s2+$0x0], $0xffff;
	_ =	sdelay $0x4  }
0x29: {  	v0 =	vadd.f32 $9.999999930e-09, v0;
	_ =	sdelay $0x1  }
0x2a: {  	(erf) = vrcp.f32 v0;
	_ =	sdelay $0x4  }
0x2b: {  	v62 =	vld [tilespmem:s15+$0x8500];
	_ =	sdelay $0x3  }
0x2c: {  	v63 =	vpop (erf)  }
0x2d: {  	s12 =	sadd.s32 $0x1, s12;
	v0 =	vmul.f32 v63, v62  }
0x2e: {  	p0 =	sne.s32 s12, s7  }
.Ltmp1:
0x2f: {  	[tilespmem:s15+$0x8A00] =	vst v0;
	(pc) =	sbr.rel @p0 .LBB2_1-.Ltmp1, $4  }
0x30: {  	[hbm4b:s6+s2] =	stream.linear.scatter [tilespmem:s11], [sflag:$0x1], $0x500, $0x38;
	[tilespmem:$0x8F00] =	vst v63  }
0x31: {  	_ =	swait.ge [sflag:s8], $0x500  }
0x32: {  	[sflag:s8] =	ssyncset.done $0x0  }
0x33: {  	[sflag:s8] =	ssyncadd.s32 $0xFFFFFB00  }
0x34: {  	_ =	sfence.sel $0x180000  }
0x35: {  	[bflag:$0x0] =	sbarrier.arrive $0xFFFF  }
0x36: {  	p0 =	sne.s32 s0, $0x0;
	_ =	strace $0x9000004A  }
0x37: {  	s0 =	sadd.s32 @!p0 $0x100000, s1;
	[bflag:$0x2] =	sbarrier.arrive $0xFFFF  }
0x38: {  	[sflag:s0] =	ssyncadd.tile.s32 @!p0 $0x1;
	_ =	shalt  }
.Lfunc_end2:
_tile_overlayer_lowered:
.L_overlay_start_2:
0x39: {  	(tag) =	ssettag $0x2  }
0x3a: {  	s0 =	rddreg [dreg:$0x0];
	s2 =	stileid.u32  }
0x3b: {  	s1 =	rddreg [dreg:$0x1];
	p0 =	sne.s32 s2, $0x0  }
0x3c: {  	s3 =	rddreg [dreg:$0x2];
	[bflag:$0x3] =	sbarrier.arrive $0xFFFF;
	s2 =	simm.s32 @!p0 $0x1C01  }
0x3d: {  	[timem:s3], [sflag:s2] =	dma.local @!p0 [hbm:s0], s1  }
0x3e: {  	s0 =	simm.s32 @!p0 $0x1  }
0x3f: {  	_ =	swait.ge @!p0 [sflag:s0], s1  }
0x40: {  	s1 =	ssub.s32 @!p0 $0x0, s1;
	[sflag:s0] =	ssyncset.done @!p0 $0x0  }
0x41: {  	[sflag:s0] =	ssyncadd.s32 @!p0 s1  }
0x42: {  	[bflag:$0x3] =	sbarrier.arrive $0xFFFF  }
0x43: {  	_ =	shalt  }

</sc_bundles>
